<compile_context>
chip_gen: v7x
topology: tpu7x:2x2x1
jax: 0.10.2.dev20260603
libtpu: 0.0.44.dev20260713+nightly
codegen_flags: <defaults>
</compile_context>

<pallas_src>
import functools
import jax
import jax.numpy as jnp
from jax import lax
from jax.experimental import pallas as pl
from jax.experimental.pallas import tpu as pltpu
from jax.experimental.pallas import tpu_sc as plsc

_B, _C, _N = 8, 3, 16384
_M = 512
_L = 16
_S = 4
_NS = _N // _S
_SCHUNKS = _NS // _L
_UNROLL = 4


def _lane_permute(v, perm):
    dnums = lax.GatherDimensionNumbers(
        offset_dims=(), collapsed_slice_dims=(0,), start_index_map=(0,))
    return lax.gather(v, perm[:, None], dnums, (1,),
                      mode=lax.GatherScatterMode.PROMISE_IN_BOUNDS)


def _splat_at(ref, pos):
    return lax.broadcast(ref[pl.ds(pos, _L)][0], (_L,))


def _fps_body(pts_hbm, out_hbm, xch_hbm, x_v, y_v, z_v, dists_v, idx_v,
              pub_v, gath_v):
    cid = lax.axis_index("c")
    sid = lax.axis_index("s")
    wid = cid * 16 + sid
    batch = cid * (_B // 2) + sid // _S
    shard = sid % _S
    gw0 = cid * 16 + (sid // _S) * _S
    sbase = shard * _NS

    base_off = batch * (_C * _N)
    pltpu.sync_copy(pts_hbm.at[pl.ds(base_off, _N)], x_v.at[pl.ds(0, _N)])
    pltpu.sync_copy(pts_hbm.at[pl.ds(base_off + _N, _N)],
                    y_v.at[pl.ds(0, _N)])
    pltpu.sync_copy(pts_hbm.at[pl.ds(base_off + 2 * _N, _N)],
                    z_v.at[pl.ds(0, _N)])

    lanes = lax.iota(jnp.int32, _L)
    zeros = jnp.zeros((_L,), jnp.int32)
    inf16 = jnp.full((_L,), jnp.inf, jnp.float32)

    def _init(j, carry):
        dists_v[pl.ds(j * _L, _L)] = inf16
        return carry

    lax.fori_loop(0, _SCHUNKS, _init, 0)

    qx = _splat_at(x_v, 0)
    qy = _splat_at(y_v, 0)
    qz = _splat_at(z_v, 0)

    def _outer(i, carry):
        qx, qy, qz, pending = carry

        neg16 = jnp.full((_L,), -jnp.inf, jnp.float32)
        acc0 = (neg16, zeros) * _UNROLL

        @plsc.parallel_loop(0, _SCHUNKS // _UNROLL, 1, unroll=2,
                            carry=acc0)
        def _chunk(j, st):
            jbase = j * (_L * _UNROLL)
            nds = []
            for u in range(_UNROLL):
                base = jbase + u * _L
                dx = x_v[pl.ds(sbase + base, _L)] - qx
                dy = y_v[pl.ds(sbase + base, _L)] - qy
                dz = z_v[pl.ds(sbase + base, _L)] - qz
                d = dx * dx + dy * dy
                d = d + dz * dz
                nds.append(jnp.minimum(dists_v[pl.ds(base, _L)], d))
            for u in range(_UNROLL):
                dists_v[pl.ds(jbase + u * _L, _L)] = nds[u]
            out = []
            for u in range(_UNROLL):
                runmax, runidx = st[2 * u], st[2 * u + 1]
                gt = nds[u] > runmax
                out.append(jnp.where(gt, nds[u], runmax))
                out.append(jnp.where(gt, lanes + (sbase + jbase + u * _L),
                                     runidx))
            return tuple(out)

        acc = _chunk
        runmax, runidx = acc[0], acc[1]
        for u in range(1, _UNROLL):
            bv, bi = acc[2 * u], acc[2 * u + 1]
            take = (bv > runmax) | ((bv == runmax) & (bi < runidx))
            runmax = jnp.where(take, bv, runmax)
            runidx = jnp.where(take, bi, runidx)

        for shift in (8, 4, 2, 1):
            perm = (lanes + shift) & (_L - 1)
            bv = _lane_permute(runmax, perm)
            bi = _lane_permute(runidx, perm)
            take = (bv > runmax) | ((bv == runmax) & (bi < runidx))
            runmax = jnp.where(take, bv, runmax)
            runidx = jnp.where(take, bi, runidx)

        pub_v[0] = runmax
        pub_v[1] = runidx.astype(jnp.float32)
        buf = i & 1
        pltpu.sync_copy(pub_v, xch_hbm.at[buf, wid])
        plsc.subcore_barrier()
        pltpu.sync_copy(xch_hbm.at[buf, pl.ds(gw0, _S)], gath_v)

        bestv = gath_v[0, 0]
        besti_f = gath_v[0, 1]
        for k in range(1, _S):
            vv = gath_v[k, 0]
            vi = gath_v[k, 1]
            take = (vv > bestv) | ((vv == bestv) & (vi < besti_f))
            bestv = jnp.where(take, vv, bestv)
            besti_f = jnp.where(take, vi, besti_f)
        besti = besti_f.astype(jnp.int32)
        nxt_s = besti[0]

        pending = jnp.where(lanes == (i & (_L - 1)), besti, pending)

        @pl.when((i & (_L - 1)) == _L - 1)
        def _flush():
            idx_v[pl.ds(i - (_L - 1), _L)] = pending

        qx = _splat_at(x_v, nxt_s)
        qy = _splat_at(y_v, nxt_s)
        qz = _splat_at(z_v, nxt_s)
        return qx, qy, qz, pending

    lax.fori_loop(1, _M, _outer, (qx, qy, qz, zeros))

    @pl.when(shard == 0)
    def _writeout():
        pltpu.sync_copy(idx_v, out_hbm.at[batch])


@functools.partial(
    pl.kernel,
    mesh=plsc.VectorSubcoreMesh(core_axis_name="c", subcore_axis_name="s"),
    out_type=[
        jax.ShapeDtypeStruct((_B, _M), jnp.int32),
        jax.ShapeDtypeStruct((2, 32, 2, _L), jnp.float32),
    ],
    scratch_types=[
        pltpu.VMEM((_N + _L,), jnp.float32),
        pltpu.VMEM((_N + _L,), jnp.float32),
        pltpu.VMEM((_N + _L,), jnp.float32),
        pltpu.VMEM((_NS,), jnp.float32),
        pltpu.VMEM((_M,), jnp.int32),
        pltpu.VMEM((2, _L), jnp.float32),
        pltpu.VMEM((_S, 2, _L), jnp.float32),
    ],
)
def _fps(pts_hbm, out_hbm, xch_hbm, x_v, y_v, z_v, dists_v, idx_v, pub_v,
         gath_v):
    _fps_body(pts_hbm, out_hbm, xch_hbm, x_v, y_v, z_v, dists_v, idx_v,
              pub_v, gath_v)


def kernel(pt_coordinates):
    idxs, _ = _fps(pt_coordinates.reshape(-1))
    return idxs

# --- scband reference (transcript-rebuilt; emitter-appended) ---
"""Pipeline reference for scband-farthest-point-sample-63256278335593 (READ-ONLY COPY).

The authoritative reference and input builder live on the scoring server;
editing this copy changes nothing except your own understanding.
"""

import jax, jax.numpy as jnp
import numpy as np

NUM_CENTROIDS = 512


def setup_inputs(seed: int = 0) -> dict:
    key = jax.random.key(seed)
    pt_coordinates = jax.random.normal(key, (8, 3, 16384), dtype=jnp.float32)
    return {"pt_coordinates": pt_coordinates}


def reference(pt_coordinates):
    # Faithful farthest point sampling over points stored channel-first [B, C, N].
    m = NUM_CENTROIDS
    B, C, N = pt_coordinates.shape
    if m > N:
        return jnp.tile(jnp.arange(N, dtype=jnp.int32)[None, :], (B, 1))
    pts = jnp.transpose(pt_coordinates, (0, 2, 1))  # [B, N, C]

    idxs0 = jnp.zeros((B, m), dtype=jnp.int32)
    dists0 = jnp.full((B, N), jnp.inf, dtype=jnp.float32)
    last0 = jnp.zeros((B,), dtype=jnp.int32)

    def body(i, state):
        idxs, dists, last = state
        last_pt = jnp.take_along_axis(pts, last[:, None, None], axis=1)  # [B,1,C] gather
        d = jnp.sum((pts - last_pt) ** 2, axis=-1)  # [B,N]
        dists = jnp.minimum(dists, d)
        nxt = jnp.argmax(dists, axis=-1).astype(jnp.int32)  # [B]
        idxs = idxs.at[:, i].set(nxt)
        return (idxs, dists, nxt)

    state = (idxs0.at[:, 0].set(0), dists0, last0)
    idxs, _, _ = jax.lax.fori_loop(1, m, body, state)
    return idxs

if __name__ == "__main__":
    import jax
    _d = setup_inputs()
    print(jax.jit(kernel)(*tuple(_d.values())))

</pallas_src>

<mosaic_0001>
#map = affine_map<(d0, d1) -> (0)>
#map1 = affine_map<(d0, d1) -> (0, 0)>
#map2 = affine_map<(d0, d1) -> (0, 0, 0, 0)>
module attributes {stable_mosaic.version = 14 : i64} {
  func.func @_fps(%arg0: i32, %arg1: i32, %arg2: memref<393216xf32, #tpu.memory_space<hbm>>, %arg3: memref<8x512xi32, #tpu.memory_space<hbm>>, %arg4: memref<2x32x2x16xf32, #tpu.memory_space<hbm>>, %arg5: memref<16400xf32, #tpu.memory_space<vmem>>, %arg6: memref<16400xf32, #tpu.memory_space<vmem>>, %arg7: memref<16400xf32, #tpu.memory_space<vmem>>, %arg8: memref<4096xf32, #tpu.memory_space<vmem>>, %arg9: memref<512xi32, #tpu.memory_space<vmem>>, %arg10: memref<2x16xf32, #tpu.memory_space<vmem>>, %arg11: memref<4x2x16xf32, #tpu.memory_space<vmem>>) attributes {dimension_semantics = [#tpu.dimension_semantics<core_parallel>, #tpu.dimension_semantics<subcore_parallel>], iteration_bounds = array<i64: 2, 16>, scalar_prefetch = 0 : i64, scratch_operands = 7 : i64, tpu.core_type = #tpu.core_type<sc_vector_subcore>, window_params = [{transform_indices = #map}, {transform_indices = #map1}, {transform_indices = #map2}]} {
    %mul3A = arith.constant 16 : i32
    %mul3A_0 = arith.muli %arg0, %mul3A : i32
    %add3A = arith.addi %mul3A_0, %arg1 : i32
    %mul3A_1 = arith.constant 4 : i32
    %mul3A_2 = arith.muli %arg0, %mul3A_1 : i32
    %jit3A = arith.constant 4 : i32
    %div3A = arith.divsi %arg1, %jit3A : i32
    %sign3A = arith.constant 0 : i32
    %sign3A_3 = arith.cmpi sgt, %arg1, %sign3A : i32
    %sign3A_4 = arith.extui %sign3A_3 : i1 to i32
    %sign3A_5 = arith.constant 0 : i32
    %sign3A_6 = arith.cmpi slt, %arg1, %sign3A_5 : i32
    %sign3A_7 = arith.extui %sign3A_6 : i1 to i32
    %sign3A_8 = arith.subi %sign3A_4, %sign3A_7 : i32
    %sign3A_9 = arith.constant 0 : i32
    %sign3A_10 = arith.cmpi sgt, %jit3A, %sign3A_9 : i32
    %sign3A_11 = arith.extui %sign3A_10 : i1 to i32
    %sign3A_12 = arith.constant 0 : i32
    %sign3A_13 = arith.cmpi slt, %jit3A, %sign3A_12 : i32
    %sign3A_14 = arith.extui %sign3A_13 : i1 to i32
    %sign3A_15 = arith.subi %sign3A_11, %sign3A_14 : i32
    %ne3A = arith.cmpi ne, %sign3A_8, %sign3A_15 : i32
    %rem3A = arith.remsi %arg1, %jit3A : i32
    %ne3A_16 = arith.constant 0 : i32
    %ne3A_17 = arith.cmpi ne, %rem3A, %ne3A_16 : i32
    %and3A = arith.andi %ne3A, %ne3A_17 : i1
    %sub3A = arith.constant 1 : i32
    %sub3A_18 = arith.subi %div3A, %sub3A : i32
    %select_n3A = arith.select %and3A, %sub3A_18, %div3A : i32
    %add3A_19 = arith.addi %mul3A_2, %select_n3A : i32
    %jit3A_20 = arith.constant 4 : i32
    %eq3A = arith.constant 0 : i32
    %eq3A_21 = arith.cmpi eq, %jit3A_20, %eq3A : i32
    %jit3A_22 = arith.constant 1 : i32
    %select_n3A_23 = arith.select %eq3A_21, %jit3A_22, %jit3A_20 : i32
    %rem3A_24 = arith.remsi %arg1, %select_n3A_23 : i32
    %ne3A_25 = arith.constant 0 : i32
    %ne3A_26 = arith.cmpi ne, %rem3A_24, %ne3A_25 : i32
    %lt3A = arith.constant 0 : i32
    %lt3A_27 = arith.cmpi slt, %rem3A_24, %lt3A : i32
    %lt3A_28 = arith.constant 0 : i32
    %lt3A_29 = arith.cmpi slt, %select_n3A_23, %lt3A_28 : i32
    %ne3A_30 = arith.xori %lt3A_27, %lt3A_29 : i1
    %and3A_31 = arith.andi %ne3A_30, %ne3A_26 : i1
    %add3A_32 = arith.addi %rem3A_24, %select_n3A_23 : i32
    %select_n3A_33 = arith.select %and3A_31, %add3A_32, %rem3A_24 : i32
    %mul3A_34 = arith.constant 16 : i32
    %mul3A_35 = arith.muli %arg0, %mul3A_34 : i32
    %jit3A_36 = arith.constant 4 : i32
    %div3A_37 = arith.divsi %arg1, %jit3A_36 : i32
    %sign3A_38 = arith.constant 0 : i32
    %sign3A_39 = arith.cmpi sgt, %arg1, %sign3A_38 : i32
    %sign3A_40 = arith.extui %sign3A_39 : i1 to i32
    %sign3A_41 = arith.constant 0 : i32
    %sign3A_42 = arith.cmpi slt, %arg1, %sign3A_41 : i32
    %sign3A_43 = arith.extui %sign3A_42 : i1 to i32
    %sign3A_44 = arith.subi %sign3A_40, %sign3A_43 : i32
    %sign3A_45 = arith.constant 0 : i32
    %sign3A_46 = arith.cmpi sgt, %jit3A_36, %sign3A_45 : i32
    %sign3A_47 = arith.extui %sign3A_46 : i1 to i32
    %sign3A_48 = arith.constant 0 : i32
    %sign3A_49 = arith.cmpi slt, %jit3A_36, %sign3A_48 : i32
    %sign3A_50 = arith.extui %sign3A_49 : i1 to i32
    %sign3A_51 = arith.subi %sign3A_47, %sign3A_50 : i32
    %ne3A_52 = arith.cmpi ne, %sign3A_44, %sign3A_51 : i32
    %rem3A_53 = arith.remsi %arg1, %jit3A_36 : i32
    %ne3A_54 = arith.constant 0 : i32
    %ne3A_55 = arith.cmpi ne, %rem3A_53, %ne3A_54 : i32
    %and3A_56 = arith.andi %ne3A_52, %ne3A_55 : i1
    %sub3A_57 = arith.constant 1 : i32
    %sub3A_58 = arith.subi %div3A_37, %sub3A_57 : i32
    %select_n3A_59 = arith.select %and3A_56, %sub3A_58, %div3A_37 : i32
    %mul3A_60 = arith.constant 4 : i32
    %mul3A_61 = arith.muli %select_n3A_59, %mul3A_60 : i32
    %add3A_62 = arith.addi %mul3A_35, %mul3A_61 : i32
    %mul3A_63 = arith.constant 4096 : i32
    %mul3A_64 = arith.muli %select_n3A_33, %mul3A_63 : i32
    %mul3A_65 = arith.constant 49152 : i32
    %mul3A_66 = arith.muli %add3A_19, %mul3A_65 : i32
    "tpu.region"() ({
      %run_scoped3A = tpu.sem_alloc : memref<!tpu.dma_semaphore, #tpu.memory_space<semaphore_mem>>
      %dma_start3A = arith.constant 0 : i32
      %dma_start3A_103 = tpu.memref_slice %arg5[%dma_start3A] : memref<16400xf32, #tpu.memory_space<vmem>> -> memref<16384xf32, #tpu.memory_space<vmem>>
      %dma_start3A_104 = tpu.memref_slice %arg2[%mul3A_66] : memref<393216xf32, #tpu.memory_space<hbm>> -> memref<16384xf32, #tpu.memory_space<hbm>>
      %dma_start3A_105 = arith.constant 0 : i32
      %dma_start3A_106 = tpu.memref_slice %arg5[%dma_start3A_105] : memref<16400xf32, #tpu.memory_space<vmem>> -> memref<16384xf32, #tpu.memory_space<vmem>>
      %dma_start3A_107 = tpu.memref_slice %arg2[%mul3A_66] : memref<393216xf32, #tpu.memory_space<hbm>> -> memref<16384xf32, #tpu.memory_space<hbm>>
      tpu.enqueue_dma source(%dma_start3A_107 : memref<16384xf32, #tpu.memory_space<hbm>>) target(%dma_start3A_106 : memref<16384xf32, #tpu.memory_space<vmem>>) target_semaphore(%run_scoped3A : memref<!tpu.dma_semaphore, #tpu.memory_space<semaphore_mem>>)
      %dma_wait3A = arith.constant 0 : i32
      %dma_wait3A_108 = tpu.memref_slice %arg5[%dma_wait3A] : memref<16400xf32, #tpu.memory_space<vmem>> -> memref<16384xf32, #tpu.memory_space<vmem>>
      %dma_wait3A_109 = tpu.memref_slice %arg2[%mul3A_66] : memref<393216xf32, #tpu.memory_space<hbm>> -> memref<16384xf32, #tpu.memory_space<hbm>>
      %dma_wait3A_110 = arith.constant 0 : i32
      %dma_wait3A_111 = tpu.memref_slice %arg5[%dma_wait3A_110] : memref<16400xf32, #tpu.memory_space<vmem>> -> memref<16384xf32, #tpu.memory_space<vmem>>
      %dma_wait3A_112 = tpu.memref_slice %arg2[%mul3A_66] : memref<393216xf32, #tpu.memory_space<hbm>> -> memref<16384xf32, #tpu.memory_space<hbm>>
      tpu.wait_dma2 semaphore(%run_scoped3A : memref<!tpu.dma_semaphore, #tpu.memory_space<semaphore_mem>>) src(%dma_wait3A_112 : memref<16384xf32, #tpu.memory_space<hbm>>) dst(%dma_wait3A_111 : memref<16384xf32, #tpu.memory_space<vmem>>)
      tpu.yield
    }) : () -> ()
    %add3A_67 = arith.constant 16384 : i32
    %add3A_68 = arith.addi %mul3A_66, %add3A_67 : i32
    "tpu.region"() ({
      %run_scoped3A = tpu.sem_alloc : memref<!tpu.dma_semaphore, #tpu.memory_space<semaphore_mem>>
      %dma_start3A = arith.constant 0 : i32
      %dma_start3A_103 = tpu.memref_slice %arg6[%dma_start3A] : memref<16400xf32, #tpu.memory_space<vmem>> -> memref<16384xf32, #tpu.memory_space<vmem>>
      %dma_start3A_104 = tpu.memref_slice %arg2[%add3A_68] : memref<393216xf32, #tpu.memory_space<hbm>> -> memref<16384xf32, #tpu.memory_space<hbm>>
      %dma_start3A_105 = arith.constant 0 : i32
      %dma_start3A_106 = tpu.memref_slice %arg6[%dma_start3A_105] : memref<16400xf32, #tpu.memory_space<vmem>> -> memref<16384xf32, #tpu.memory_space<vmem>>
      %dma_start3A_107 = tpu.memref_slice %arg2[%add3A_68] : memref<393216xf32, #tpu.memory_space<hbm>> -> memref<16384xf32, #tpu.memory_space<hbm>>
      tpu.enqueue_dma source(%dma_start3A_107 : memref<16384xf32, #tpu.memory_space<hbm>>) target(%dma_start3A_106 : memref<16384xf32, #tpu.memory_space<vmem>>) target_semaphore(%run_scoped3A : memref<!tpu.dma_semaphore, #tpu.memory_space<semaphore_mem>>)
      %dma_wait3A = arith.constant 0 : i32
      %dma_wait3A_108 = tpu.memref_slice %arg6[%dma_wait3A] : memref<16400xf32, #tpu.memory_space<vmem>> -> memref<16384xf32, #tpu.memory_space<vmem>>
      %dma_wait3A_109 = tpu.memref_slice %arg2[%add3A_68] : memref<393216xf32, #tpu.memory_space<hbm>> -> memref<16384xf32, #tpu.memory_space<hbm>>
      %dma_wait3A_110 = arith.constant 0 : i32
      %dma_wait3A_111 = tpu.memref_slice %arg6[%dma_wait3A_110] : memref<16400xf32, #tpu.memory_space<vmem>> -> memref<16384xf32, #tpu.memory_space<vmem>>
      %dma_wait3A_112 = tpu.memref_slice %arg2[%add3A_68] : memref<393216xf32, #tpu.memory_space<hbm>> -> memref<16384xf32, #tpu.memory_space<hbm>>
      tpu.wait_dma2 semaphore(%run_scoped3A : memref<!tpu.dma_semaphore, #tpu.memory_space<semaphore_mem>>) src(%dma_wait3A_112 : memref<16384xf32, #tpu.memory_space<hbm>>) dst(%dma_wait3A_111 : memref<16384xf32, #tpu.memory_space<vmem>>)
      tpu.yield
    }) : () -> ()
    %add3A_69 = arith.constant 32768 : i32
    %add3A_70 = arith.addi %mul3A_66, %add3A_69 : i32
    "tpu.region"() ({
      %run_scoped3A = tpu.sem_alloc : memref<!tpu.dma_semaphore, #tpu.memory_space<semaphore_mem>>
      %dma_start3A = arith.constant 0 : i32
      %dma_start3A_103 = tpu.memref_slice %arg7[%dma_start3A] : memref<16400xf32, #tpu.memory_space<vmem>> -> memref<16384xf32, #tpu.memory_space<vmem>>
      %dma_start3A_104 = tpu.memref_slice %arg2[%add3A_70] : memref<393216xf32, #tpu.memory_space<hbm>> -> memref<16384xf32, #tpu.memory_space<hbm>>
      %dma_start3A_105 = arith.constant 0 : i32
      %dma_start3A_106 = tpu.memref_slice %arg7[%dma_start3A_105] : memref<16400xf32, #tpu.memory_space<vmem>> -> memref<16384xf32, #tpu.memory_space<vmem>>
      %dma_start3A_107 = tpu.memref_slice %arg2[%add3A_70] : memref<393216xf32, #tpu.memory_space<hbm>> -> memref<16384xf32, #tpu.memory_space<hbm>>
      tpu.enqueue_dma source(%dma_start3A_107 : memref<16384xf32, #tpu.memory_space<hbm>>) target(%dma_start3A_106 : memref<16384xf32, #tpu.memory_space<vmem>>) target_semaphore(%run_scoped3A : memref<!tpu.dma_semaphore, #tpu.memory_space<semaphore_mem>>)
      %dma_wait3A = arith.constant 0 : i32
      %dma_wait3A_108 = tpu.memref_slice %arg7[%dma_wait3A] : memref<16400xf32, #tpu.memory_space<vmem>> -> memref<16384xf32, #tpu.memory_space<vmem>>
      %dma_wait3A_109 = tpu.memref_slice %arg2[%add3A_70] : memref<393216xf32, #tpu.memory_space<hbm>> -> memref<16384xf32, #tpu.memory_space<hbm>>
      %dma_wait3A_110 = arith.constant 0 : i32
      %dma_wait3A_111 = tpu.memref_slice %arg7[%dma_wait3A_110] : memref<16400xf32, #tpu.memory_space<vmem>> -> memref<16384xf32, #tpu.memory_space<vmem>>
      %dma_wait3A_112 = tpu.memref_slice %arg2[%add3A_70] : memref<393216xf32, #tpu.memory_space<hbm>> -> memref<16384xf32, #tpu.memory_space<hbm>>
      tpu.wait_dma2 semaphore(%run_scoped3A : memref<!tpu.dma_semaphore, #tpu.memory_space<semaphore_mem>>) src(%dma_wait3A_112 : memref<16384xf32, #tpu.memory_space<hbm>>) dst(%dma_wait3A_111 : memref<16384xf32, #tpu.memory_space<vmem>>)
      tpu.yield
    }) : () -> ()
    %iota3A = tpu.iota {dimensions = array<i32: 0>} : vector<16xi32>
    %broadcast_in_dim3A = arith.constant 0 : i32
    %broadcast_in_dim3A_71 = vector.broadcast %broadcast_in_dim3A : i32 to vector<16xi32>
    %broadcast_in_dim3A_72 = arith.constant 0x7F800000 : f32
    %broadcast_in_dim3A_73 = vector.broadcast %broadcast_in_dim3A_72 : f32 to vector<16xf32>
    %scan3A = arith.constant 0 : i32
    %scan3A_74 = arith.constant 0 : i32
    %scan3A_75 = arith.constant 256 : i32
    %scan3A_76 = arith.addi %scan3A_74, %scan3A_75 : i32
    %scan3A_77 = arith.constant 1 : i32
    scf.for %scan3A_103 = %scan3A_74 to %scan3A_76 step %scan3A_77  : i32 {
      %mul3A_104 = arith.constant 16 : i32
      %mul3A_105 = arith.muli %scan3A_103, %mul3A_104 : i32
      %swap3A = arith.index_cast %mul3A_105 : i32 to index
      %swap3A_106 = tpu.vector_load %arg8[%swap3A] {strides = array<i32>} : memref<4096xf32, #tpu.memory_space<vmem>>, vector<16xf32>,
      %swap3A_107 = vector.shape_cast %swap3A_106 : vector<16xf32> to vector<16xf32>
      %swap3A_108 = vector.shape_cast %broadcast_in_dim3A_73 : vector<16xf32> to vector<16xf32>
      tpu.vector_store %arg8[%swap3A], %swap3A_108 {strides = array<i32>} : memref<4096xf32, #tpu.memory_space<vmem>>, vector<16xf32>,
    }
    %scan3A_78 = arith.constant 256 : i32
    %get3A = arith.constant 0 : index
    %get3A_79 = tpu.vector_load %arg5[%get3A] {strides = array<i32>} : memref<16400xf32, #tpu.memory_space<vmem>>, vector<16xf32>,
    %get3A_80 = vector.shape_cast %get3A_79 : vector<16xf32> to vector<16xf32>
    %slice3A = vector.extract_strided_slice %get3A_80 {offsets = [0], sizes = [1], strides = [1]} : vector<16xf32> to vector<1xf32>
    %squeeze3A = vector.extract %slice3A[0] : f32 from vector<1xf32>
    %broadcast_in_dim3A_81 = vector.broadcast %squeeze3A : f32 to vector<16xf32>
    %get3A_82 = arith.constant 0 : index
    %get3A_83 = tpu.vector_load %arg6[%get3A_82] {strides = array<i32>} : memref<16400xf32, #tpu.memory_space<vmem>>, vector<16xf32>,
    %get3A_84 = vector.shape_cast %get3A_83 : vector<16xf32> to vector<16xf32>
    %slice3A_85 = vector.extract_strided_slice %get3A_84 {offsets = [0], sizes = [1], strides = [1]} : vector<16xf32> to vector<1xf32>
    %squeeze3A_86 = vector.extract %slice3A_85[0] : f32 from vector<1xf32>
    %broadcast_in_dim3A_87 = vector.broadcast %squeeze3A_86 : f32 to vector<16xf32>
    %get3A_88 = arith.constant 0 : index
    %get3A_89 = tpu.vector_load %arg7[%get3A_88] {strides = array<i32>} : memref<16400xf32, #tpu.memory_space<vmem>>, vector<16xf32>,
    %get3A_90 = vector.shape_cast %get3A_89 : vector<16xf32> to vector<16xf32>
    %slice3A_91 = vector.extract_strided_slice %get3A_90 {offsets = [0], sizes = [1], strides = [1]} : vector<16xf32> to vector<1xf32>
    %squeeze3A_92 = vector.extract %slice3A_91[0] : f32 from vector<1xf32>
    %broadcast_in_dim3A_93 = vector.broadcast %squeeze3A_92 : f32 to vector<16xf32>
    %scan3A_94 = arith.constant 1 : i32
    %scan3A_95 = arith.constant 511 : i32
    %scan3A_96 = arith.addi %scan3A_94, %scan3A_95 : i32
    %scan3A_97 = arith.constant 1 : i32
    %scan3A_98:4 = scf.for %scan3A_103 = %scan3A_94 to %scan3A_96 step %scan3A_97 iter_args(%scan3A_104 = %broadcast_in_dim3A_81, %scan3A_105 = %broadcast_in_dim3A_87, %scan3A_106 = %broadcast_in_dim3A_93, %scan3A_107 = %broadcast_in_dim3A_71) -> (vector<16xf32>, vector<16xf32>, vector<16xf32>, vector<16xi32>)  : i32 {
      %broadcast_in_dim3A_108 = arith.constant 0xFF800000 : f32
      %broadcast_in_dim3A_109 = vector.broadcast %broadcast_in_dim3A_108 : f32 to vector<16xf32>
      %parallel_loop3A = arith.constant 0 : i32
      %parallel_loop3A_110 = arith.constant 64 : i32
      %parallel_loop3A_111 = arith.constant 1 : i32
      %parallel_loop3A_112:8 = scf.for %parallel_loop3A_331 = %parallel_loop3A to %parallel_loop3A_110 step %parallel_loop3A_111 iter_args(%parallel_loop3A_332 = %broadcast_in_dim3A_109, %parallel_loop3A_333 = %broadcast_in_dim3A_71, %parallel_loop3A_334 = %broadcast_in_dim3A_109, %parallel_loop3A_335 = %broadcast_in_dim3A_71, %parallel_loop3A_336 = %broadcast_in_dim3A_109, %parallel_loop3A_337 = %broadcast_in_dim3A_71, %parallel_loop3A_338 = %broadcast_in_dim3A_109, %parallel_loop3A_339 = %broadcast_in_dim3A_71) -> (vector<16xf32>, vector<16xi32>, vector<16xf32>, vector<16xi32>, vector<16xf32>, vector<16xi32>, vector<16xf32>, vector<16xi32>)  : i32 {
        %parallel_loop3A_340 = arith.constant 64 : i32
        %parallel_loop3A_341 = arith.muli %parallel_loop3A_331, %parallel_loop3A_340 : i32
        %parallel_loop3A_342 = arith.constant 0 : i32
        %parallel_loop3A_343 = arith.addi %parallel_loop3A_341, %parallel_loop3A_342 : i32
        %parallel_loop3A_344 = arith.addi %mul3A_64, %parallel_loop3A_343 : i32
        %parallel_loop3A_345 = arith.index_cast %parallel_loop3A_344 : i32 to index
        %parallel_loop3A_346 = tpu.vector_load %arg5[%parallel_loop3A_345] {strides = array<i32>} : memref<16400xf32, #tpu.memory_space<vmem>>, vector<16xf32>,
        %parallel_loop3A_347 = vector.shape_cast %parallel_loop3A_346 : vector<16xf32> to vector<16xf32>
        %parallel_loop3A_348 = arith.subf %parallel_loop3A_347, %scan3A_104 : vector<16xf32>
        %parallel_loop3A_349 = arith.addi %mul3A_64, %parallel_loop3A_343 : i32
        %parallel_loop3A_350 = arith.index_cast %parallel_loop3A_349 : i32 to index
        %parallel_loop3A_351 = tpu.vector_load %arg6[%parallel_loop3A_350] {strides = array<i32>} : memref<16400xf32, #tpu.memory_space<vmem>>, vector<16xf32>,
        %parallel_loop3A_352 = vector.shape_cast %parallel_loop3A_351 : vector<16xf32> to vector<16xf32>
        %parallel_loop3A_353 = arith.subf %parallel_loop3A_352, %scan3A_105 : vector<16xf32>
        %parallel_loop3A_354 = arith.addi %mul3A_64, %parallel_loop3A_343 : i32
        %parallel_loop3A_355 = arith.index_cast %parallel_loop3A_354 : i32 to index
        %parallel_loop3A_356 = tpu.vector_load %arg7[%parallel_loop3A_355] {strides = array<i32>} : memref<16400xf32, #tpu.memory_space<vmem>>, vector<16xf32>,
        %parallel_loop3A_357 = vector.shape_cast %parallel_loop3A_356 : vector<16xf32> to vector<16xf32>
        %parallel_loop3A_358 = arith.subf %parallel_loop3A_357, %scan3A_106 : vector<16xf32>
        %parallel_loop3A_359 = arith.mulf %parallel_loop3A_348, %parallel_loop3A_348 : vector<16xf32>
        %parallel_loop3A_360 = arith.mulf %parallel_loop3A_353, %parallel_loop3A_353 : vector<16xf32>
        %parallel_loop3A_361 = arith.addf %parallel_loop3A_359, %parallel_loop3A_360 : vector<16xf32>
        %parallel_loop3A_362 = arith.mulf %parallel_loop3A_358, %parallel_loop3A_358 : vector<16xf32>
        %parallel_loop3A_363 = arith.addf %parallel_loop3A_361, %parallel_loop3A_362 : vector<16xf32>
        %parallel_loop3A_364 = arith.index_cast %parallel_loop3A_343 : i32 to index
        %parallel_loop3A_365 = tpu.vector_load %arg8[%parallel_loop3A_364] {strides = array<i32>} : memref<4096xf32, #tpu.memory_space<vmem>>, vector<16xf32>,
        %parallel_loop3A_366 = vector.shape_cast %parallel_loop3A_365 : vector<16xf32> to vector<16xf32>
        %parallel_loop3A_367 = arith.minimumf %parallel_loop3A_366, %parallel_loop3A_363 : vector<16xf32>
        %parallel_loop3A_368 = arith.constant 16 : i32
        %parallel_loop3A_369 = arith.addi %parallel_loop3A_341, %parallel_loop3A_368 : i32
        %parallel_loop3A_370 = arith.addi %mul3A_64, %parallel_loop3A_369 : i32
        %parallel_loop3A_371 = arith.index_cast %parallel_loop3A_370 : i32 to index
        %parallel_loop3A_372 = tpu.vector_load %arg5[%parallel_loop3A_371] {strides = array<i32>} : memref<16400xf32, #tpu.memory_space<vmem>>, vector<16xf32>,
        %parallel_loop3A_373 = vector.shape_cast %parallel_loop3A_372 : vector<16xf32> to vector<16xf32>
        %parallel_loop3A_374 = arith.subf %parallel_loop3A_373, %scan3A_104 : vector<16xf32>
        %parallel_loop3A_375 = arith.addi %mul3A_64, %parallel_loop3A_369 : i32
        %parallel_loop3A_376 = arith.index_cast %parallel_loop3A_375 : i32 to index
        %parallel_loop3A_377 = tpu.vector_load %arg6[%parallel_loop3A_376] {strides = array<i32>} : memref<16400xf32, #tpu.memory_space<vmem>>, vector<16xf32>,
        %parallel_loop3A_378 = vector.shape_cast %parallel_loop3A_377 : vector<16xf32> to vector<16xf32>
        %parallel_loop3A_379 = arith.subf %parallel_loop3A_378, %scan3A_105 : vector<16xf32>
        %parallel_loop3A_380 = arith.addi %mul3A_64, %parallel_loop3A_369 : i32
        %parallel_loop3A_381 = arith.index_cast %parallel_loop3A_380 : i32 to index
        %parallel_loop3A_382 = tpu.vector_load %arg7[%parallel_loop3A_381] {strides = array<i32>} : memref<16400xf32, #tpu.memory_space<vmem>>, vector<16xf32>,
        %parallel_loop3A_383 = vector.shape_cast %parallel_loop3A_382 : vector<16xf32> to vector<16xf32>
        %parallel_loop3A_384 = arith.subf %parallel_loop3A_383, %scan3A_106 : vector<16xf32>
        %parallel_loop3A_385 = arith.mulf %parallel_loop3A_374, %parallel_loop3A_374 : vector<16xf32>
        %parallel_loop3A_386 = arith.mulf %parallel_loop3A_379, %parallel_loop3A_379 : vector<16xf32>
        %parallel_loop3A_387 = arith.addf %parallel_loop3A_385, %parallel_loop3A_386 : vector<16xf32>
        %parallel_loop3A_388 = arith.mulf %parallel_loop3A_384, %parallel_loop3A_384 : vector<16xf32>
        %parallel_loop3A_389 = arith.addf %parallel_loop3A_387, %parallel_loop3A_388 : vector<16xf32>
        %parallel_loop3A_390 = arith.index_cast %parallel_loop3A_369 : i32 to index
        %parallel_loop3A_391 = tpu.vector_load %arg8[%parallel_loop3A_390] {strides = array<i32>} : memref<4096xf32, #tpu.memory_space<vmem>>, vector<16xf32>,
        %parallel_loop3A_392 = vector.shape_cast %parallel_loop3A_391 : vector<16xf32> to vector<16xf32>
        %parallel_loop3A_393 = arith.minimumf %parallel_loop3A_392, %parallel_loop3A_389 : vector<16xf32>
        %parallel_loop3A_394 = arith.constant 32 : i32
        %parallel_loop3A_395 = arith.addi %parallel_loop3A_341, %parallel_loop3A_394 : i32
        %parallel_loop3A_396 = arith.addi %mul3A_64, %parallel_loop3A_395 : i32
        %parallel_loop3A_397 = arith.index_cast %parallel_loop3A_396 : i32 to index
        %parallel_loop3A_398 = tpu.vector_load %arg5[%parallel_loop3A_397] {strides = array<i32>} : memref<16400xf32, #tpu.memory_space<vmem>>, vector<16xf32>,
        %parallel_loop3A_399 = vector.shape_cast %parallel_loop3A_398 : vector<16xf32> to vector<16xf32>
        %parallel_loop3A_400 = arith.subf %parallel_loop3A_399, %scan3A_104 : vector<16xf32>
        %parallel_loop3A_401 = arith.addi %mul3A_64, %parallel_loop3A_395 : i32
        %parallel_loop3A_402 = arith.index_cast %parallel_loop3A_401 : i32 to index
        %parallel_loop3A_403 = tpu.vector_load %arg6[%parallel_loop3A_402] {strides = array<i32>} : memref<16400xf32, #tpu.memory_space<vmem>>, vector<16xf32>,
        %parallel_loop3A_404 = vector.shape_cast %parallel_loop3A_403 : vector<16xf32> to vector<16xf32>
        %parallel_loop3A_405 = arith.subf %parallel_loop3A_404, %scan3A_105 : vector<16xf32>
        %parallel_loop3A_406 = arith.addi %mul3A_64, %parallel_loop3A_395 : i32
        %parallel_loop3A_407 = arith.index_cast %parallel_loop3A_406 : i32 to index
        %parallel_loop3A_408 = tpu.vector_load %arg7[%parallel_loop3A_407] {strides = array<i32>} : memref<16400xf32, #tpu.memory_space<vmem>>, vector<16xf32>,
        %parallel_loop3A_409 = vector.shape_cast %parallel_loop3A_408 : vector<16xf32> to vector<16xf32>
        %parallel_loop3A_410 = arith.subf %parallel_loop3A_409, %scan3A_106 : vector<16xf32>
        %parallel_loop3A_411 = arith.mulf %parallel_loop3A_400, %parallel_loop3A_400 : vector<16xf32>
        %parallel_loop3A_412 = arith.mulf %parallel_loop3A_405, %parallel_loop3A_405 : vector<16xf32>
        %parallel_loop3A_413 = arith.addf %parallel_loop3A_411, %parallel_loop3A_412 : vector<16xf32>
        %parallel_loop3A_414 = arith.mulf %parallel_loop3A_410, %parallel_loop3A_410 : vector<16xf32>
        %parallel_loop3A_415 = arith.addf %parallel_loop3A_413, %parallel_loop3A_414 : vector<16xf32>
        %parallel_loop3A_416 = arith.index_cast %parallel_loop3A_395 : i32 to index
        %parallel_loop3A_417 = tpu.vector_load %arg8[%parallel_loop3A_416] {strides = array<i32>} : memref<4096xf32, #tpu.memory_space<vmem>>, vector<16xf32>,
        %parallel_loop3A_418 = vector.shape_cast %parallel_loop3A_417 : vector<16xf32> to vector<16xf32>
        %parallel_loop3A_419 = arith.minimumf %parallel_loop3A_418, %parallel_loop3A_415 : vector<16xf32>
        %parallel_loop3A_420 = arith.constant 48 : i32
        %parallel_loop3A_421 = arith.addi %parallel_loop3A_341, %parallel_loop3A_420 : i32
        %parallel_loop3A_422 = arith.addi %mul3A_64, %parallel_loop3A_421 : i32
        %parallel_loop3A_423 = arith.index_cast %parallel_loop3A_422 : i32 to index
        %parallel_loop3A_424 = tpu.vector_load %arg5[%parallel_loop3A_423] {strides = array<i32>} : memref<16400xf32, #tpu.memory_space<vmem>>, vector<16xf32>,
        %parallel_loop3A_425 = vector.shape_cast %parallel_loop3A_424 : vector<16xf32> to vector<16xf32>
        %parallel_loop3A_426 = arith.subf %parallel_loop3A_425, %scan3A_104 : vector<16xf32>
        %parallel_loop3A_427 = arith.addi %mul3A_64, %parallel_loop3A_421 : i32
        %parallel_loop3A_428 = arith.index_cast %parallel_loop3A_427 : i32 to index
        %parallel_loop3A_429 = tpu.vector_load %arg6[%parallel_loop3A_428] {strides = array<i32>} : memref<16400xf32, #tpu.memory_space<vmem>>, vector<16xf32>,
        %parallel_loop3A_430 = vector.shape_cast %parallel_loop3A_429 : vector<16xf32> to vector<16xf32>
        %parallel_loop3A_431 = arith.subf %parallel_loop3A_430, %scan3A_105 : vector<16xf32>
        %parallel_loop3A_432 = arith.addi %mul3A_64, %parallel_loop3A_421 : i32
        %parallel_loop3A_433 = arith.index_cast %parallel_loop3A_432 : i32 to index
        %parallel_loop3A_434 = tpu.vector_load %arg7[%parallel_loop3A_433] {strides = array<i32>} : memref<16400xf32, #tpu.memory_space<vmem>>, vector<16xf32>,
        %parallel_loop3A_435 = vector.shape_cast %parallel_loop3A_434 : vector<16xf32> to vector<16xf32>
        %parallel_loop3A_436 = arith.subf %parallel_loop3A_435, %scan3A_106 : vector<16xf32>
        %parallel_loop3A_437 = arith.mulf %parallel_loop3A_426, %parallel_loop3A_426 : vector<16xf32>
        %parallel_loop3A_438 = arith.mulf %parallel_loop3A_431, %parallel_loop3A_431 : vector<16xf32>
        %parallel_loop3A_439 = arith.addf %parallel_loop3A_437, %parallel_loop3A_438 : vector<16xf32>
        %parallel_loop3A_440 = arith.mulf %parallel_loop3A_436, %parallel_loop3A_436 : vector<16xf32>
        %parallel_loop3A_441 = arith.addf %parallel_loop3A_439, %parallel_loop3A_440 : vector<16xf32>
        %parallel_loop3A_442 = arith.index_cast %parallel_loop3A_421 : i32 to index
        %parallel_loop3A_443 = tpu.vector_load %arg8[%parallel_loop3A_442] {strides = array<i32>} : memref<4096xf32, #tpu.memory_space<vmem>>, vector<16xf32>,
        %parallel_loop3A_444 = vector.shape_cast %parallel_loop3A_443 : vector<16xf32> to vector<16xf32>
        %parallel_loop3A_445 = arith.minimumf %parallel_loop3A_444, %parallel_loop3A_441 : vector<16xf32>
        %parallel_loop3A_446 = arith.constant 0 : i32
        %parallel_loop3A_447 = arith.addi %parallel_loop3A_341, %parallel_loop3A_446 : i32
        %parallel_loop3A_448 = arith.index_cast %parallel_loop3A_447 : i32 to index
        %parallel_loop3A_449 = tpu.vector_load %arg8[%parallel_loop3A_448] {strides = array<i32>} : memref<4096xf32, #tpu.memory_space<vmem>>, vector<16xf32>,
        %parallel_loop3A_450 = vector.shape_cast %parallel_loop3A_449 : vector<16xf32> to vector<16xf32>
        %parallel_loop3A_451 = vector.shape_cast %parallel_loop3A_367 : vector<16xf32> to vector<16xf32>
        tpu.vector_store %arg8[%parallel_loop3A_448], %parallel_loop3A_451 {strides = array<i32>} : memref<4096xf32, #tpu.memory_space<vmem>>, vector<16xf32>,
        %parallel_loop3A_452 = arith.constant 16 : i32
        %parallel_loop3A_453 = arith.addi %parallel_loop3A_341, %parallel_loop3A_452 : i32
        %parallel_loop3A_454 = arith.index_cast %parallel_loop3A_453 : i32 to index
        %parallel_loop3A_455 = tpu.vector_load %arg8[%parallel_loop3A_454] {strides = array<i32>} : memref<4096xf32, #tpu.memory_space<vmem>>, vector<16xf32>,
        %parallel_loop3A_456 = vector.shape_cast %parallel_loop3A_455 : vector<16xf32> to vector<16xf32>
        %parallel_loop3A_457 = vector.shape_cast %parallel_loop3A_393 : vector<16xf32> to vector<16xf32>
        tpu.vector_store %arg8[%parallel_loop3A_454], %parallel_loop3A_457 {strides = array<i32>} : memref<4096xf32, #tpu.memory_space<vmem>>, vector<16xf32>,
        %parallel_loop3A_458 = arith.constant 32 : i32
        %parallel_loop3A_459 = arith.addi %parallel_loop3A_341, %parallel_loop3A_458 : i32
        %parallel_loop3A_460 = arith.index_cast %parallel_loop3A_459 : i32 to index
        %parallel_loop3A_461 = tpu.vector_load %arg8[%parallel_loop3A_460] {strides = array<i32>} : memref<4096xf32, #tpu.memory_space<vmem>>, vector<16xf32>,
        %parallel_loop3A_462 = vector.shape_cast %parallel_loop3A_461 : vector<16xf32> to vector<16xf32>
        %parallel_loop3A_463 = vector.shape_cast %parallel_loop3A_419 : vector<16xf32> to vector<16xf32>
        tpu.vector_store %arg8[%parallel_loop3A_460], %parallel_loop3A_463 {strides = array<i32>} : memref<4096xf32, #tpu.memory_space<vmem>>, vector<16xf32>,
        %parallel_loop3A_464 = arith.constant 48 : i32
        %parallel_loop3A_465 = arith.addi %parallel_loop3A_341, %parallel_loop3A_464 : i32
        %parallel_loop3A_466 = arith.index_cast %parallel_loop3A_465 : i32 to index
        %parallel_loop3A_467 = tpu.vector_load %arg8[%parallel_loop3A_466] {strides = array<i32>} : memref<4096xf32, #tpu.memory_space<vmem>>, vector<16xf32>,
        %parallel_loop3A_468 = vector.shape_cast %parallel_loop3A_467 : vector<16xf32> to vector<16xf32>
        %parallel_loop3A_469 = vector.shape_cast %parallel_loop3A_445 : vector<16xf32> to vector<16xf32>
        tpu.vector_store %arg8[%parallel_loop3A_466], %parallel_loop3A_469 {strides = array<i32>} : memref<4096xf32, #tpu.memory_space<vmem>>, vector<16xf32>,
        %parallel_loop3A_470 = arith.cmpf ogt, %parallel_loop3A_367, %parallel_loop3A_332 : vector<16xf32>
        %parallel_loop3A_471 = arith.select %parallel_loop3A_470, %parallel_loop3A_367, %parallel_loop3A_332 : vector<16xi1>, vector<16xf32>
        %parallel_loop3A_472 = arith.addi %mul3A_64, %parallel_loop3A_341 : i32
        %parallel_loop3A_473 = arith.constant 0 : i32
        %parallel_loop3A_474 = arith.addi %parallel_loop3A_472, %parallel_loop3A_473 : i32
        %parallel_loop3A_475 = vector.broadcast %parallel_loop3A_474 : i32 to vector<16xi32>
        %parallel_loop3A_476 = arith.addi %iota3A, %parallel_loop3A_475 : vector<16xi32>
        %parallel_loop3A_477 = arith.select %parallel_loop3A_470, %parallel_loop3A_476, %parallel_loop3A_333 : vector<16xi1>, vector<16xi32>
        %parallel_loop3A_478 = arith.cmpf ogt, %parallel_loop3A_393, %parallel_loop3A_334 : vector<16xf32>
        %parallel_loop3A_479 = arith.select %parallel_loop3A_478, %parallel_loop3A_393, %parallel_loop3A_334 : vector<16xi1>, vector<16xf32>
        %parallel_loop3A_480 = arith.addi %mul3A_64, %parallel_loop3A_341 : i32
        %parallel_loop3A_481 = arith.constant 16 : i32
        %parallel_loop3A_482 = arith.addi %parallel_loop3A_480, %parallel_loop3A_481 : i32
        %parallel_loop3A_483 = vector.broadcast %parallel_loop3A_482 : i32 to vector<16xi32>
        %parallel_loop3A_484 = arith.addi %iota3A, %parallel_loop3A_483 : vector<16xi32>
        %parallel_loop3A_485 = arith.select %parallel_loop3A_478, %parallel_loop3A_484, %parallel_loop3A_335 : vector<16xi1>, vector<16xi32>
        %parallel_loop3A_486 = arith.cmpf ogt, %parallel_loop3A_419, %parallel_loop3A_336 : vector<16xf32>
        %parallel_loop3A_487 = arith.select %parallel_loop3A_486, %parallel_loop3A_419, %parallel_loop3A_336 : vector<16xi1>, vector<16xf32>
        %parallel_loop3A_488 = arith.addi %mul3A_64, %parallel_loop3A_341 : i32
        %parallel_loop3A_489 = arith.constant 32 : i32
        %parallel_loop3A_490 = arith.addi %parallel_loop3A_488, %parallel_loop3A_489 : i32
        %parallel_loop3A_491 = vector.broadcast %parallel_loop3A_490 : i32 to vector<16xi32>
        %parallel_loop3A_492 = arith.addi %iota3A, %parallel_loop3A_491 : vector<16xi32>
        %parallel_loop3A_493 = arith.select %parallel_loop3A_486, %parallel_loop3A_492, %parallel_loop3A_337 : vector<16xi1>, vector<16xi32>
        %parallel_loop3A_494 = arith.cmpf ogt, %parallel_loop3A_445, %parallel_loop3A_338 : vector<16xf32>
        %parallel_loop3A_495 = arith.select %parallel_loop3A_494, %parallel_loop3A_445, %parallel_loop3A_338 : vector<16xi1>, vector<16xf32>
        %parallel_loop3A_496 = arith.addi %mul3A_64, %parallel_loop3A_341 : i32
        %parallel_loop3A_497 = arith.constant 48 : i32
        %parallel_loop3A_498 = arith.addi %parallel_loop3A_496, %parallel_loop3A_497 : i32
        %parallel_loop3A_499 = vector.broadcast %parallel_loop3A_498 : i32 to vector<16xi32>
        %parallel_loop3A_500 = arith.addi %iota3A, %parallel_loop3A_499 : vector<16xi32>
        %parallel_loop3A_501 = arith.select %parallel_loop3A_494, %parallel_loop3A_500, %parallel_loop3A_339 : vector<16xi1>, vector<16xi32>
        scf.yield %parallel_loop3A_471, %parallel_loop3A_477, %parallel_loop3A_479, %parallel_loop3A_485, %parallel_loop3A_487, %parallel_loop3A_493, %parallel_loop3A_495, %parallel_loop3A_501 : vector<16xf32>, vector<16xi32>, vector<16xf32>, vector<16xi32>, vector<16xf32>, vector<16xi32>, vector<16xf32>, vector<16xi32>
      } {sc.loop_unroll_factor = 2 : i64, sc.parallel_access}
      %gt3A = arith.cmpf ogt, %parallel_loop3A_112#2, %parallel_loop3A_112#0 : vector<16xf32>
      %eq3A_113 = arith.cmpf oeq, %parallel_loop3A_112#2, %parallel_loop3A_112#0 : vector<16xf32>
      %lt3A_114 = arith.cmpi slt, %parallel_loop3A_112#3, %parallel_loop3A_112#1 : vector<16xi32>
      %and3A_115 = arith.andi %eq3A_113, %lt3A_114 : vector<16xi1>
      %or3A = arith.ori %gt3A, %and3A_115 : vector<16xi1>
      %select_n3A_116 = arith.select %or3A, %parallel_loop3A_112#2, %parallel_loop3A_112#0 : vector<16xi1>, vector<16xf32>
      %select_n3A_117 = arith.select %or3A, %parallel_loop3A_112#3, %parallel_loop3A_112#1 : vector<16xi1>, vector<16xi32>
      %gt3A_118 = arith.cmpf ogt, %parallel_loop3A_112#4, %select_n3A_116 : vector<16xf32>
      %eq3A_119 = arith.cmpf oeq, %parallel_loop3A_112#4, %select_n3A_116 : vector<16xf32>
      %lt3A_120 = arith.cmpi slt, %parallel_loop3A_112#5, %select_n3A_117 : vector<16xi32>
      %and3A_121 = arith.andi %eq3A_119, %lt3A_120 : vector<16xi1>
      %or3A_122 = arith.ori %gt3A_118, %and3A_121 : vector<16xi1>
      %select_n3A_123 = arith.select %or3A_122, %parallel_loop3A_112#4, %select_n3A_116 : vector<16xi1>, vector<16xf32>
      %select_n3A_124 = arith.select %or3A_122, %parallel_loop3A_112#5, %select_n3A_117 : vector<16xi1>, vector<16xi32>
      %gt3A_125 = arith.cmpf ogt, %parallel_loop3A_112#6, %select_n3A_123 : vector<16xf32>
      %eq3A_126 = arith.cmpf oeq, %parallel_loop3A_112#6, %select_n3A_123 : vector<16xf32>
      %lt3A_127 = arith.cmpi slt, %parallel_loop3A_112#7, %select_n3A_124 : vector<16xi32>
      %and3A_128 = arith.andi %eq3A_126, %lt3A_127 : vector<16xi1>
      %or3A_129 = arith.ori %gt3A_125, %and3A_128 : vector<16xi1>
      %select_n3A_130 = arith.select %or3A_129, %parallel_loop3A_112#6, %select_n3A_123 : vector<16xi1>, vector<16xf32>
      %select_n3A_131 = arith.select %or3A_129, %parallel_loop3A_112#7, %select_n3A_124 : vector<16xi1>, vector<16xi32>
      %add3A_132 = arith.constant 8 : i32
      %add3A_133 = vector.broadcast %add3A_132 : i32 to vector<16xi32>
      %add3A_134 = arith.addi %iota3A, %add3A_133 : vector<16xi32>
      %and3A_135 = arith.constant 15 : i32
      %and3A_136 = vector.broadcast %and3A_135 : i32 to vector<16xi32>
      %and3A_137 = arith.andi %add3A_134, %and3A_136 : vector<16xi32>
      %broadcast_in_dim3A_138 = vector.shape_cast %and3A_137 : vector<16xi32> to vector<16x1xi32>
      %gather3A = vector.shape_cast %broadcast_in_dim3A_138 : vector<16x1xi32> to vector<16xi32>
      %gather3A_139 = tpu.dynamic_gather %select_n3A_130[%gather3A] in [0] : vector<16xf32>, vector<16xi32> -> vector<16xf32>
      %broadcast_in_dim3A_140 = vector.shape_cast %and3A_137 : vector<16xi32> to vector<16x1xi32>
      %gather3A_141 = vector.shape_cast %broadcast_in_dim3A_140 : vector<16x1xi32> to vector<16xi32>
      %gather3A_142 = tpu.dynamic_gather %select_n3A_131[%gather3A_141] in [0] : vector<16xi32>, vector<16xi32> -> vector<16xi32>
      %gt3A_143 = arith.cmpf ogt, %gather3A_139, %select_n3A_130 : vector<16xf32>
      %eq3A_144 = arith.cmpf oeq, %gather3A_139, %select_n3A_130 : vector<16xf32>
      %lt3A_145 = arith.cmpi slt, %gather3A_142, %select_n3A_131 : vector<16xi32>
      %and3A_146 = arith.andi %eq3A_144, %lt3A_145 : vector<16xi1>
      %or3A_147 = arith.ori %gt3A_143, %and3A_146 : vector<16xi1>
      %select_n3A_148 = arith.select %or3A_147, %gather3A_139, %select_n3A_130 : vector<16xi1>, vector<16xf32>
      %select_n3A_149 = arith.select %or3A_147, %gather3A_142, %select_n3A_131 : vector<16xi1>, vector<16xi32>
      %add3A_150 = arith.constant 4 : i32
      %add3A_151 = vector.broadcast %add3A_150 : i32 to vector<16xi32>
      %add3A_152 = arith.addi %iota3A, %add3A_151 : vector<16xi32>
      %and3A_153 = arith.constant 15 : i32
      %and3A_154 = vector.broadcast %and3A_153 : i32 to vector<16xi32>
      %and3A_155 = arith.andi %add3A_152, %and3A_154 : vector<16xi32>
      %broadcast_in_dim3A_156 = vector.shape_cast %and3A_155 : vector<16xi32> to vector<16x1xi32>
      %gather3A_157 = vector.shape_cast %broadcast_in_dim3A_156 : vector<16x1xi32> to vector<16xi32>
      %gather3A_158 = tpu.dynamic_gather %select_n3A_148[%gather3A_157] in [0] : vector<16xf32>, vector<16xi32> -> vector<16xf32>
      %broadcast_in_dim3A_159 = vector.shape_cast %and3A_155 : vector<16xi32> to vector<16x1xi32>
      %gather3A_160 = vector.shape_cast %broadcast_in_dim3A_159 : vector<16x1xi32> to vector<16xi32>
      %gather3A_161 = tpu.dynamic_gather %select_n3A_149[%gather3A_160] in [0] : vector<16xi32>, vector<16xi32> -> vector<16xi32>
      %gt3A_162 = arith.cmpf ogt, %gather3A_158, %select_n3A_148 : vector<16xf32>
      %eq3A_163 = arith.cmpf oeq, %gather3A_158, %select_n3A_148 : vector<16xf32>
      %lt3A_164 = arith.cmpi slt, %gather3A_161, %select_n3A_149 : vector<16xi32>
      %and3A_165 = arith.andi %eq3A_163, %lt3A_164 : vector<16xi1>
      %or3A_166 = arith.ori %gt3A_162, %and3A_165 : vector<16xi1>
      %select_n3A_167 = arith.select %or3A_166, %gather3A_158, %select_n3A_148 : vector<16xi1>, vector<16xf32>
      %select_n3A_168 = arith.select %or3A_166, %gather3A_161, %select_n3A_149 : vector<16xi1>, vector<16xi32>
      %add3A_169 = arith.constant 2 : i32
      %add3A_170 = vector.broadcast %add3A_169 : i32 to vector<16xi32>
      %add3A_171 = arith.addi %iota3A, %add3A_170 : vector<16xi32>
      %and3A_172 = arith.constant 15 : i32
      %and3A_173 = vector.broadcast %and3A_172 : i32 to vector<16xi32>
      %and3A_174 = arith.andi %add3A_171, %and3A_173 : vector<16xi32>
      %broadcast_in_dim3A_175 = vector.shape_cast %and3A_174 : vector<16xi32> to vector<16x1xi32>
      %gather3A_176 = vector.shape_cast %broadcast_in_dim3A_175 : vector<16x1xi32> to vector<16xi32>
      %gather3A_177 = tpu.dynamic_gather %select_n3A_167[%gather3A_176] in [0] : vector<16xf32>, vector<16xi32> -> vector<16xf32>
      %broadcast_in_dim3A_178 = vector.shape_cast %and3A_174 : vector<16xi32> to vector<16x1xi32>
      %gather3A_179 = vector.shape_cast %broadcast_in_dim3A_178 : vector<16x1xi32> to vector<16xi32>
      %gather3A_180 = tpu.dynamic_gather %select_n3A_168[%gather3A_179] in [0] : vector<16xi32>, vector<16xi32> -> vector<16xi32>
      %gt3A_181 = arith.cmpf ogt, %gather3A_177, %select_n3A_167 : vector<16xf32>
      %eq3A_182 = arith.cmpf oeq, %gather3A_177, %select_n3A_167 : vector<16xf32>
      %lt3A_183 = arith.cmpi slt, %gather3A_180, %select_n3A_168 : vector<16xi32>
      %and3A_184 = arith.andi %eq3A_182, %lt3A_183 : vector<16xi1>
      %or3A_185 = arith.ori %gt3A_181, %and3A_184 : vector<16xi1>
      %select_n3A_186 = arith.select %or3A_185, %gather3A_177, %select_n3A_167 : vector<16xi1>, vector<16xf32>
      %select_n3A_187 = arith.select %or3A_185, %gather3A_180, %select_n3A_168 : vector<16xi1>, vector<16xi32>
      %add3A_188 = arith.constant 1 : i32
      %add3A_189 = vector.broadcast %add3A_188 : i32 to vector<16xi32>
      %add3A_190 = arith.addi %iota3A, %add3A_189 : vector<16xi32>
      %and3A_191 = arith.constant 15 : i32
      %and3A_192 = vector.broadcast %and3A_191 : i32 to vector<16xi32>
      %and3A_193 = arith.andi %add3A_190, %and3A_192 : vector<16xi32>
      %broadcast_in_dim3A_194 = vector.shape_cast %and3A_193 : vector<16xi32> to vector<16x1xi32>
      %gather3A_195 = vector.shape_cast %broadcast_in_dim3A_194 : vector<16x1xi32> to vector<16xi32>
      %gather3A_196 = tpu.dynamic_gather %select_n3A_186[%gather3A_195] in [0] : vector<16xf32>, vector<16xi32> -> vector<16xf32>
      %broadcast_in_dim3A_197 = vector.shape_cast %and3A_193 : vector<16xi32> to vector<16x1xi32>
      %gather3A_198 = vector.shape_cast %broadcast_in_dim3A_197 : vector<16x1xi32> to vector<16xi32>
      %gather3A_199 = tpu.dynamic_gather %select_n3A_187[%gather3A_198] in [0] : vector<16xi32>, vector<16xi32> -> vector<16xi32>
      %gt3A_200 = arith.cmpf ogt, %gather3A_196, %select_n3A_186 : vector<16xf32>
      %eq3A_201 = arith.cmpf oeq, %gather3A_196, %select_n3A_186 : vector<16xf32>
      %lt3A_202 = arith.cmpi slt, %gather3A_199, %select_n3A_187 : vector<16xi32>
      %and3A_203 = arith.andi %eq3A_201, %lt3A_202 : vector<16xi1>
      %or3A_204 = arith.ori %gt3A_200, %and3A_203 : vector<16xi1>
      %select_n3A_205 = arith.select %or3A_204, %gather3A_196, %select_n3A_186 : vector<16xi1>, vector<16xf32>
      %select_n3A_206 = arith.select %or3A_204, %gather3A_199, %select_n3A_187 : vector<16xi1>, vector<16xi32>
      %swap3A = arith.constant 0 : i32
      %swap3A_207 = arith.index_cast %swap3A : i32 to index
      %swap3A_208 = arith.constant 0 : index
      %swap3A_209 = tpu.vector_load %arg10[%swap3A_207, %swap3A_208] {strides = array<i32>} : memref<2x16xf32, #tpu.memory_space<vmem>>, vector<1x16xf32>,
      %swap3A_210 = vector.shape_cast %swap3A_209 : vector<1x16xf32> to vector<16xf32>
      %swap3A_211 = vector.shape_cast %select_n3A_205 : vector<16xf32> to vector<1x16xf32>
      tpu.vector_store %arg10[%swap3A_207, %swap3A_208], %swap3A_211 {strides = array<i32>} : memref<2x16xf32, #tpu.memory_space<vmem>>, vector<1x16xf32>,
      %convert_element_type3A_212 = arith.sitofp %select_n3A_206 : vector<16xi32> to vector<16xf32>
      %swap3A_213 = arith.constant 1 : i32
      %swap3A_214 = arith.index_cast %swap3A_213 : i32 to index
      %swap3A_215 = arith.constant 0 : index
      %swap3A_216 = tpu.vector_load %arg10[%swap3A_214, %swap3A_215] {strides = array<i32>} : memref<2x16xf32, #tpu.memory_space<vmem>>, vector<1x16xf32>,
      %swap3A_217 = vector.shape_cast %swap3A_216 : vector<1x16xf32> to vector<16xf32>
      %swap3A_218 = vector.shape_cast %convert_element_type3A_212 : vector<16xf32> to vector<1x16xf32>
      tpu.vector_store %arg10[%swap3A_214, %swap3A_215], %swap3A_218 {strides = array<i32>} : memref<2x16xf32, #tpu.memory_space<vmem>>, vector<1x16xf32>,
      %and3A_219 = arith.constant 1 : i32
      %and3A_220 = arith.andi %scan3A_103, %and3A_219 : i32
      "tpu.region"() ({
        %run_scoped3A = tpu.sem_alloc : memref<!tpu.dma_semaphore, #tpu.memory_space<semaphore_mem>>
        %dma_start3A = arith.constant 0 : i32
        %dma_start3A_331 = arith.constant 0 : i32
        %dma_start3A_332 = tpu.memref_slice %arg4[%and3A_220, %add3A, %dma_start3A, %dma_start3A_331] : memref<2x32x2x16xf32, #tpu.memory_space<hbm>> -> memref<1x1x2x16xf32, #tpu.memory_space<hbm>>
        %dma_start3A_333 = tpu.memref_squeeze %dma_start3A_332 : memref<1x1x2x16xf32, #tpu.memory_space<hbm>> -> memref<2x16xf32, #tpu.memory_space<hbm>>
        %dma_start3A_334 = arith.constant 0 : i32
        %dma_start3A_335 = arith.constant 0 : i32
        %dma_start3A_336 = tpu.memref_slice %arg4[%and3A_220, %add3A, %dma_start3A_334, %dma_start3A_335] : memref<2x32x2x16xf32, #tpu.memory_space<hbm>> -> memref<1x1x2x16xf32, #tpu.memory_space<hbm>>
        %dma_start3A_337 = tpu.memref_squeeze %dma_start3A_336 : memref<1x1x2x16xf32, #tpu.memory_space<hbm>> -> memref<2x16xf32, #tpu.memory_space<hbm>>
        tpu.enqueue_dma source(%arg10 : memref<2x16xf32, #tpu.memory_space<vmem>>) target(%dma_start3A_337 : memref<2x16xf32, #tpu.memory_space<hbm>>) target_semaphore(%run_scoped3A : memref<!tpu.dma_semaphore, #tpu.memory_space<semaphore_mem>>)
        %dma_wait3A = arith.constant 0 : i32
        %dma_wait3A_338 = arith.constant 0 : i32
        %dma_wait3A_339 = tpu.memref_slice %arg4[%and3A_220, %add3A, %dma_wait3A, %dma_wait3A_338] : memref<2x32x2x16xf32, #tpu.memory_space<hbm>> -> memref<1x1x2x16xf32, #tpu.memory_space<hbm>>
        %dma_wait3A_340 = tpu.memref_squeeze %dma_wait3A_339 : memref<1x1x2x16xf32, #tpu.memory_space<hbm>> -> memref<2x16xf32, #tpu.memory_space<hbm>>
        %dma_wait3A_341 = arith.constant 0 : i32
        %dma_wait3A_342 = arith.constant 0 : i32
        %dma_wait3A_343 = tpu.memref_slice %arg4[%and3A_220, %add3A, %dma_wait3A_341, %dma_wait3A_342] : memref<2x32x2x16xf32, #tpu.memory_space<hbm>> -> memref<1x1x2x16xf32, #tpu.memory_space<hbm>>
        %dma_wait3A_344 = tpu.memref_squeeze %dma_wait3A_343 : memref<1x1x2x16xf32, #tpu.memory_space<hbm>> -> memref<2x16xf32, #tpu.memory_space<hbm>>
        tpu.wait_dma2 semaphore(%run_scoped3A : memref<!tpu.dma_semaphore, #tpu.memory_space<semaphore_mem>>) src(%arg10 : memref<2x16xf32, #tpu.memory_space<vmem>>) dst(%dma_wait3A_344 : memref<2x16xf32, #tpu.memory_space<hbm>>)
        tpu.yield
      }) : () -> ()
      %barrier3A = arith.constant 0 : index
      tpu.barrier barrier_id(%barrier3A)
      "tpu.region"() ({
        %run_scoped3A = tpu.sem_alloc : memref<!tpu.dma_semaphore, #tpu.memory_space<semaphore_mem>>
        %dma_start3A = arith.constant 0 : i32
        %dma_start3A_331 = arith.constant 0 : i32
        %dma_start3A_332 = tpu.memref_slice %arg4[%and3A_220, %add3A_62, %dma_start3A, %dma_start3A_331] : memref<2x32x2x16xf32, #tpu.memory_space<hbm>> -> memref<1x4x2x16xf32, #tpu.memory_space<hbm>>
        %dma_start3A_333 = tpu.memref_squeeze %dma_start3A_332 : memref<1x4x2x16xf32, #tpu.memory_space<hbm>> -> memref<4x2x16xf32, #tpu.memory_space<hbm>>
        %dma_start3A_334 = arith.constant 0 : i32
        %dma_start3A_335 = arith.constant 0 : i32
        %dma_start3A_336 = tpu.memref_slice %arg4[%and3A_220, %add3A_62, %dma_start3A_334, %dma_start3A_335] : memref<2x32x2x16xf32, #tpu.memory_space<hbm>> -> memref<1x4x2x16xf32, #tpu.memory_space<hbm>>
        %dma_start3A_337 = tpu.memref_squeeze %dma_start3A_336 : memref<1x4x2x16xf32, #tpu.memory_space<hbm>> -> memref<4x2x16xf32, #tpu.memory_space<hbm>>
        tpu.enqueue_dma source(%dma_start3A_337 : memref<4x2x16xf32, #tpu.memory_space<hbm>>) target(%arg11 : memref<4x2x16xf32, #tpu.memory_space<vmem>>) target_semaphore(%run_scoped3A : memref<!tpu.dma_semaphore, #tpu.memory_space<semaphore_mem>>)
        %dma_wait3A = arith.constant 0 : i32
        %dma_wait3A_338 = arith.constant 0 : i32
        %dma_wait3A_339 = tpu.memref_slice %arg4[%and3A_220, %add3A_62, %dma_wait3A, %dma_wait3A_338] : memref<2x32x2x16xf32, #tpu.memory_space<hbm>> -> memref<1x4x2x16xf32, #tpu.memory_space<hbm>>
        %dma_wait3A_340 = tpu.memref_squeeze %dma_wait3A_339 : memref<1x4x2x16xf32, #tpu.memory_space<hbm>> -> memref<4x2x16xf32, #tpu.memory_space<hbm>>
        %dma_wait3A_341 = arith.constant 0 : i32
        %dma_wait3A_342 = arith.constant 0 : i32
        %dma_wait3A_343 = tpu.memref_slice %arg4[%and3A_220, %add3A_62, %dma_wait3A_341, %dma_wait3A_342] : memref<2x32x2x16xf32, #tpu.memory_space<hbm>> -> memref<1x4x2x16xf32, #tpu.memory_space<hbm>>
        %dma_wait3A_344 = tpu.memref_squeeze %dma_wait3A_343 : memref<1x4x2x16xf32, #tpu.memory_space<hbm>> -> memref<4x2x16xf32, #tpu.memory_space<hbm>>
        tpu.wait_dma2 semaphore(%run_scoped3A : memref<!tpu.dma_semaphore, #tpu.memory_space<semaphore_mem>>) src(%dma_wait3A_344 : memref<4x2x16xf32, #tpu.memory_space<hbm>>) dst(%arg11 : memref<4x2x16xf32, #tpu.memory_space<vmem>>)
        tpu.yield
      }) : () -> ()
      %get3A_221 = arith.constant 0 : i32
      %get3A_222 = arith.constant 0 : i32
      %get3A_223 = arith.index_cast %get3A_221 : i32 to index
      %get3A_224 = arith.index_cast %get3A_222 : i32 to index
      %get3A_225 = arith.constant 0 : index
      %get3A_226 = tpu.vector_load %arg11[%get3A_223, %get3A_224, %get3A_225] {strides = array<i32>} : memref<4x2x16xf32, #tpu.memory_space<vmem>>, vector<1x1x16xf32>,
      %get3A_227 = vector.shape_cast %get3A_226 : vector<1x1x16xf32> to vector<16xf32>
      %get3A_228 = arith.constant 0 : i32
      %get3A_229 = arith.constant 1 : i32
      %get3A_230 = arith.index_cast %get3A_228 : i32 to index
      %get3A_231 = arith.index_cast %get3A_229 : i32 to index
      %get3A_232 = arith.constant 0 : index
      %get3A_233 = tpu.vector_load %arg11[%get3A_230, %get3A_231, %get3A_232] {strides = array<i32>} : memref<4x2x16xf32, #tpu.memory_space<vmem>>, vector<1x1x16xf32>,
      %get3A_234 = vector.shape_cast %get3A_233 : vector<1x1x16xf32> to vector<16xf32>
      %get3A_235 = arith.constant 1 : i32
      %get3A_236 = arith.constant 0 : i32
      %get3A_237 = arith.index_cast %get3A_235 : i32 to index
      %get3A_238 = arith.index_cast %get3A_236 : i32 to index
      %get3A_239 = arith.constant 0 : index
      %get3A_240 = tpu.vector_load %arg11[%get3A_237, %get3A_238, %get3A_239] {strides = array<i32>} : memref<4x2x16xf32, #tpu.memory_space<vmem>>, vector<1x1x16xf32>,
      %get3A_241 = vector.shape_cast %get3A_240 : vector<1x1x16xf32> to vector<16xf32>
      %get3A_242 = arith.constant 1 : i32
      %get3A_243 = arith.constant 1 : i32
      %get3A_244 = arith.index_cast %get3A_242 : i32 to index
      %get3A_245 = arith.index_cast %get3A_243 : i32 to index
      %get3A_246 = arith.constant 0 : index
      %get3A_247 = tpu.vector_load %arg11[%get3A_244, %get3A_245, %get3A_246] {strides = array<i32>} : memref<4x2x16xf32, #tpu.memory_space<vmem>>, vector<1x1x16xf32>,
      %get3A_248 = vector.shape_cast %get3A_247 : vector<1x1x16xf32> to vector<16xf32>
      %gt3A_249 = arith.cmpf ogt, %get3A_241, %get3A_227 : vector<16xf32>
      %eq3A_250 = arith.cmpf oeq, %get3A_241, %get3A_227 : vector<16xf32>
      %lt3A_251 = arith.cmpf olt, %get3A_248, %get3A_234 : vector<16xf32>
      %and3A_252 = arith.andi %eq3A_250, %lt3A_251 : vector<16xi1>
      %or3A_253 = arith.ori %gt3A_249, %and3A_252 : vector<16xi1>
      %select_n3A_254 = arith.select %or3A_253, %get3A_241, %get3A_227 : vector<16xi1>, vector<16xf32>
      %select_n3A_255 = arith.select %or3A_253, %get3A_248, %get3A_234 : vector<16xi1>, vector<16xf32>
      %get3A_256 = arith.constant 2 : i32
      %get3A_257 = arith.constant 0 : i32
      %get3A_258 = arith.index_cast %get3A_256 : i32 to index
      %get3A_259 = arith.index_cast %get3A_257 : i32 to index
      %get3A_260 = arith.constant 0 : index
      %get3A_261 = tpu.vector_load %arg11[%get3A_258, %get3A_259, %get3A_260] {strides = array<i32>} : memref<4x2x16xf32, #tpu.memory_space<vmem>>, vector<1x1x16xf32>,
      %get3A_262 = vector.shape_cast %get3A_261 : vector<1x1x16xf32> to vector<16xf32>
      %get3A_263 = arith.constant 2 : i32
      %get3A_264 = arith.constant 1 : i32
      %get3A_265 = arith.index_cast %get3A_263 : i32 to index
      %get3A_266 = arith.index_cast %get3A_264 : i32 to index
      %get3A_267 = arith.constant 0 : index
      %get3A_268 = tpu.vector_load %arg11[%get3A_265, %get3A_266, %get3A_267] {strides = array<i32>} : memref<4x2x16xf32, #tpu.memory_space<vmem>>, vector<1x1x16xf32>,
      %get3A_269 = vector.shape_cast %get3A_268 : vector<1x1x16xf32> to vector<16xf32>
      %gt3A_270 = arith.cmpf ogt, %get3A_262, %select_n3A_254 : vector<16xf32>
      %eq3A_271 = arith.cmpf oeq, %get3A_262, %select_n3A_254 : vector<16xf32>
      %lt3A_272 = arith.cmpf olt, %get3A_269, %select_n3A_255 : vector<16xf32>
      %and3A_273 = arith.andi %eq3A_271, %lt3A_272 : vector<16xi1>
      %or3A_274 = arith.ori %gt3A_270, %and3A_273 : vector<16xi1>
      %select_n3A_275 = arith.select %or3A_274, %get3A_262, %select_n3A_254 : vector<16xi1>, vector<16xf32>
      %select_n3A_276 = arith.select %or3A_274, %get3A_269, %select_n3A_255 : vector<16xi1>, vector<16xf32>
      %get3A_277 = arith.constant 3 : i32
      %get3A_278 = arith.constant 0 : i32
      %get3A_279 = arith.index_cast %get3A_277 : i32 to index
      %get3A_280 = arith.index_cast %get3A_278 : i32 to index
      %get3A_281 = arith.constant 0 : index
      %get3A_282 = tpu.vector_load %arg11[%get3A_279, %get3A_280, %get3A_281] {strides = array<i32>} : memref<4x2x16xf32, #tpu.memory_space<vmem>>, vector<1x1x16xf32>,
      %get3A_283 = vector.shape_cast %get3A_282 : vector<1x1x16xf32> to vector<16xf32>
      %get3A_284 = arith.constant 3 : i32
      %get3A_285 = arith.constant 1 : i32
      %get3A_286 = arith.index_cast %get3A_284 : i32 to index
      %get3A_287 = arith.index_cast %get3A_285 : i32 to index
      %get3A_288 = arith.constant 0 : index
      %get3A_289 = tpu.vector_load %arg11[%get3A_286, %get3A_287, %get3A_288] {strides = array<i32>} : memref<4x2x16xf32, #tpu.memory_space<vmem>>, vector<1x1x16xf32>,
      %get3A_290 = vector.shape_cast %get3A_289 : vector<1x1x16xf32> to vector<16xf32>
      %gt3A_291 = arith.cmpf ogt, %get3A_283, %select_n3A_275 : vector<16xf32>
      %eq3A_292 = arith.cmpf oeq, %get3A_283, %select_n3A_275 : vector<16xf32>
      %lt3A_293 = arith.cmpf olt, %get3A_290, %select_n3A_276 : vector<16xf32>
      %and3A_294 = arith.andi %eq3A_292, %lt3A_293 : vector<16xi1>
      %or3A_295 = arith.ori %gt3A_291, %and3A_294 : vector<16xi1>
      %select_n3A_296 = arith.select %or3A_295, %get3A_283, %select_n3A_275 : vector<16xi1>, vector<16xf32>
      %select_n3A_297 = arith.select %or3A_295, %get3A_290, %select_n3A_276 : vector<16xi1>, vector<16xf32>
      %convert_element_type3A_298 = arith.fptosi %select_n3A_297 : vector<16xf32> to vector<16xi32>
      %slice3A_299 = vector.extract_strided_slice %convert_element_type3A_298 {offsets = [0], sizes = [1], strides = [1]} : vector<16xi32> to vector<1xi32>
      %squeeze3A_300 = vector.extract %slice3A_299[0] : i32 from vector<1xi32>
      %and3A_301 = arith.constant 15 : i32
      %and3A_302 = arith.andi %scan3A_103, %and3A_301 : i32
      %eq3A_303 = vector.broadcast %and3A_302 : i32 to vector<16xi32>
      %eq3A_304 = arith.cmpi eq, %iota3A, %eq3A_303 : vector<16xi32>
      %select_n3A_305 = arith.select %eq3A_304, %convert_element_type3A_298, %scan3A_107 : vector<16xi1>, vector<16xi32>
      %and3A_306 = arith.constant 15 : i32
      %and3A_307 = arith.andi %scan3A_103, %and3A_306 : i32
      %eq3A_308 = arith.constant 15 : i32
      %eq3A_309 = arith.cmpi eq, %and3A_307, %eq3A_308 : i32
      %convert_element_type3A_310 = arith.extui %eq3A_309 : i1 to i32
      %cond3A_311 = arith.constant 0 : i32
      %cond3A_312 = arith.cmpi ne, %convert_element_type3A_310, %cond3A_311 : i32
      scf.if %cond3A_312 {
        %sub3A_331 = arith.constant 15 : i32
        %sub3A_332 = arith.subi %scan3A_103, %sub3A_331 : i32
        %swap3A_333 = arith.index_cast %sub3A_332 : i32 to index
        %swap3A_334 = tpu.vector_load %arg9[%swap3A_333] {strides = array<i32>} : memref<512xi32, #tpu.memory_space<vmem>>, vector<16xi32>,
        %swap3A_335 = vector.shape_cast %swap3A_334 : vector<16xi32> to vector<16xi32>
        %swap3A_336 = vector.shape_cast %select_n3A_305 : vector<16xi32> to vector<16xi32>
        tpu.vector_store %arg9[%swap3A_333], %swap3A_336 {strides = array<i32>} : memref<512xi32, #tpu.memory_space<vmem>>, vector<16xi32>,
      } else {
      }
      %get3A_313 = arith.index_cast %squeeze3A_300 : i32 to index
      %get3A_314 = tpu.vector_load %arg5[%get3A_313] {strides = array<i32>} : memref<16400xf32, #tpu.memory_space<vmem>>, vector<16xf32>,
      %get3A_315 = vector.shape_cast %get3A_314 : vector<16xf32> to vector<16xf32>
      %slice3A_316 = vector.extract_strided_slice %get3A_315 {offsets = [0], sizes = [1], strides = [1]} : vector<16xf32> to vector<1xf32>
      %squeeze3A_317 = vector.extract %slice3A_316[0] : f32 from vector<1xf32>
      %broadcast_in_dim3A_318 = vector.broadcast %squeeze3A_317 : f32 to vector<16xf32>
      %get3A_319 = arith.index_cast %squeeze3A_300 : i32 to index
      %get3A_320 = tpu.vector_load %arg6[%get3A_319] {strides = array<i32>} : memref<16400xf32, #tpu.memory_space<vmem>>, vector<16xf32>,
      %get3A_321 = vector.shape_cast %get3A_320 : vector<16xf32> to vector<16xf32>
      %slice3A_322 = vector.extract_strided_slice %get3A_321 {offsets = [0], sizes = [1], strides = [1]} : vector<16xf32> to vector<1xf32>
      %squeeze3A_323 = vector.extract %slice3A_322[0] : f32 from vector<1xf32>
      %broadcast_in_dim3A_324 = vector.broadcast %squeeze3A_323 : f32 to vector<16xf32>
      %get3A_325 = arith.index_cast %squeeze3A_300 : i32 to index
      %get3A_326 = tpu.vector_load %arg7[%get3A_325] {strides = array<i32>} : memref<16400xf32, #tpu.memory_space<vmem>>, vector<16xf32>,
      %get3A_327 = vector.shape_cast %get3A_326 : vector<16xf32> to vector<16xf32>
      %slice3A_328 = vector.extract_strided_slice %get3A_327 {offsets = [0], sizes = [1], strides = [1]} : vector<16xf32> to vector<1xf32>
      %squeeze3A_329 = vector.extract %slice3A_328[0] : f32 from vector<1xf32>
      %broadcast_in_dim3A_330 = vector.broadcast %squeeze3A_329 : f32 to vector<16xf32>
      scf.yield %broadcast_in_dim3A_318, %broadcast_in_dim3A_324, %broadcast_in_dim3A_330, %select_n3A_305 : vector<16xf32>, vector<16xf32>, vector<16xf32>, vector<16xi32>
    }
    %scan3A_99 = arith.constant 511 : i32
    %eq3A_100 = arith.constant 0 : i32
    %eq3A_101 = arith.cmpi eq, %select_n3A_33, %eq3A_100 : i32
    %convert_element_type3A = arith.extui %eq3A_101 : i1 to i32
    %cond3A = arith.constant 0 : i32
    %cond3A_102 = arith.cmpi ne, %convert_element_type3A, %cond3A : i32
    scf.if %cond3A_102 {
      "tpu.region"() ({
        %run_scoped3A = tpu.sem_alloc : memref<!tpu.dma_semaphore, #tpu.memory_space<semaphore_mem>>
        %dma_start3A = arith.constant 0 : i32
        %dma_start3A_103 = tpu.memref_slice %arg3[%add3A_19, %dma_start3A] : memref<8x512xi32, #tpu.memory_space<hbm>> -> memref<1x512xi32, #tpu.memory_space<hbm>>
        %dma_start3A_104 = tpu.memref_squeeze %dma_start3A_103 : memref<1x512xi32, #tpu.memory_space<hbm>> -> memref<512xi32, #tpu.memory_space<hbm>>
        %dma_start3A_105 = arith.constant 0 : i32
        %dma_start3A_106 = tpu.memref_slice %arg3[%add3A_19, %dma_start3A_105] : memref<8x512xi32, #tpu.memory_space<hbm>> -> memref<1x512xi32, #tpu.memory_space<hbm>>
        %dma_start3A_107 = tpu.memref_squeeze %dma_start3A_106 : memref<1x512xi32, #tpu.memory_space<hbm>> -> memref<512xi32, #tpu.memory_space<hbm>>
        tpu.enqueue_dma source(%arg9 : memref<512xi32, #tpu.memory_space<vmem>>) target(%dma_start3A_107 : memref<512xi32, #tpu.memory_space<hbm>>) target_semaphore(%run_scoped3A : memref<!tpu.dma_semaphore, #tpu.memory_space<semaphore_mem>>)
        %dma_wait3A = arith.constant 0 : i32
        %dma_wait3A_108 = tpu.memref_slice %arg3[%add3A_19, %dma_wait3A] : memref<8x512xi32, #tpu.memory_space<hbm>> -> memref<1x512xi32, #tpu.memory_space<hbm>>
        %dma_wait3A_109 = tpu.memref_squeeze %dma_wait3A_108 : memref<1x512xi32, #tpu.memory_space<hbm>> -> memref<512xi32, #tpu.memory_space<hbm>>
        %dma_wait3A_110 = arith.constant 0 : i32
        %dma_wait3A_111 = tpu.memref_slice %arg3[%add3A_19, %dma_wait3A_110] : memref<8x512xi32, #tpu.memory_space<hbm>> -> memref<1x512xi32, #tpu.memory_space<hbm>>
        %dma_wait3A_112 = tpu.memref_squeeze %dma_wait3A_111 : memref<1x512xi32, #tpu.memory_space<hbm>> -> memref<512xi32, #tpu.memory_space<hbm>>
        tpu.wait_dma2 semaphore(%run_scoped3A : memref<!tpu.dma_semaphore, #tpu.memory_space<semaphore_mem>>) src(%arg9 : memref<512xi32, #tpu.memory_space<vmem>>) dst(%dma_wait3A_112 : memref<512xi32, #tpu.memory_space<hbm>>)
        tpu.yield
      }) : () -> ()
    } else {
    }
    return
  }
}

</mosaic_0001>

<sc_bundles>
// kernel: kernel.3.cloned.1.call-start
scs
__scs_entry_jumppad:
0x0: {  	(pc) =	sbr.rel $0x88, $3  }
0x1: {  	(tag) =	ssettag $0x0;
	lr =	simm.s32 $0x1  }
0x2: {  	[smem:$0x3FA0] =	sst lr;
	_ =	strace $0xD0000000  }
0x3: {  	_ = 	snop  }
0x4: {  	_ = 	snop  }
0x5: {  	_ = 	snop  }
0x6: {  	_ = 	snop  }
0x7: {  	_ = 	snop  }
__scs_overlays_trampoline_lowered:
0x8: {  	[smem:$0x3FAF] =	sst s0  }
0x9: {  	[smem:$0x3FB0] =	sst s1  }
0xa: {  	[smem:$0x3FB1] =	sst s2  }
0xb: {  	[smem:$0x3FB2] =	sst s3  }
0xc: {  	[smem:$0x3FB3] =	sst s4  }
0xd: {  	[smem:$0x3FB4] =	sst s5  }
0xe: {  	[smem:$0x3FB5] =	sst s6  }
0xf: {  	[smem:$0x3FB6] =	sst s7  }
0x10: {  	[smem:$0x3FB7] =	sst s8  }
0x11: {  	[smem:$0x3FB8] =	sst s9;
	s0 =	simm.s32 @!p0 $0x0  }
0x12: {  	s1 =	sld [smem:$0x3F9E];
	s0 =	simm.s32 @p0 $0x1  }
0x13: {  	[smem:$0x3FB9] =	sst s0;
	s0 =	simm.s32 @!p1 $0x0  }
0x14: {  	s2 =	sld [smem:$0x3F9D];
	s0 =	simm.s32 @p1 $0x1  }
0x15: {  	[smem:$0x3FBA] =	sst s0;
	s0 =	simm.s32 @!p2 $0x0  }
0x16: {  	s3 =	sld [smem:$0x3FDB];
	s0 =	simm.s32 @p2 $0x1  }
0x17: {  	s4 =	simm.s32 $0x1BF5;
	[smem:$0x3FBC] =	sst s0  }
0x18: {  	s0 =	sld [smem:$0x3F9F];
	_ =	swait.ge [sflag:s4], $0x0  }
0x19: {  	s7 =	sld [smem:$0x3FA0]  }
0x1a: {  	s8 =	sadd.s32 $0xFFFFE003, lr  }
0x1b: {  	s9 =	sadd.s32 $0xFFFFFEF7, lr;
	s5 =	simm.s32 $0xFFFFFFFF;
	p2 =	slt.u32 s8, $0xFFFFF086  }
0x1c: {  	p1 =	slt.u32 s9, $0xF7A;
	s5 =	simm.s32 @!p2 $0x0  }
0x1d: {  	s5 =	simm.s32 @p1 $0x1;
	p0 =	seq.s32 s7, s2  }
0x1e: {  	s7 =	smul.u32 @!p0 $0xF7A, s2;
	p2 =	seq.s32 @!p0 s5, $0x0  }
0x1f: {  	s9 =	smul.u32 $0xF7A, s1;
	s8 =	simm.s32 @!p0 $0x1BF5;
	p2 =	por !p2, p0  }
0x20: {  	[sflag:s8] =	ssyncset.s32 @!p0 $0xFFFFF086;
	s6 =	sadd.s32 @!p0 s3, s7;
	s7 =	simm.s32 @!p0 $0x108  }
0x21: {  	s3 =	sadd.s32 s3, s9;
	s6 =	sadd.s32 @!p0 $0x88, s6;
	s7 =	simm.s32 @p2 $0x1082  }
0x22: {  	[simem:s7], [sflag:s8] =	dma.local @!p0 [hbm:s6], $0xF7A  }
0x23: {  	s9 =	sor.u32 $0xD0000000, s2;
	s6 =	simm.s32 $0x108;
	_ =	swait.ge @!p0 [sflag:s8], $0x0  }
0x24: {  	s3 =	sadd.s32 $0x88, s3;
	s6 =	simm.s32 @!p1 $0x1082;
	[sflag:s4] =	ssyncset.s32 $0xFFFFF086  }
0x25: {  	[simem:s6], [sflag:s4] =	dma.local [hbm:s3], $0xF7A  }
0x26: {  	[smem:$0x3FA0] =	sst s1;
	(tag) =	ssettag s2;
	_ =	strace s9  }
0x27: {  	s1 =	sld [smem:$0x3FB0]  }
0x28: {  	s2 =	sld [smem:$0x3FB1]  }
0x29: {  	s4 =	sld [smem:$0x3FB3]  }
0x2a: {  	p0 =	seq.s32 s5, $0x0;
	s5 =	sld [smem:$0x3FB4]  }
0x2b: {  	s6 =	sld [smem:$0x3FB5]  }
0x2c: {  	s7 =	sld [smem:$0x3FB6]  }
0x2d: {  	s3 =	simm.s32 $0x108;
	s8 =	sld [smem:$0x3FB7]  }
0x2e: {  	s3 =	simm.s32 @!p0 $0x1082;
	s9 =	sld [smem:$0x3FB8]  }
0x2f: {  	lr =	sadd.s32 s0, s3;
	s0 =	sld [smem:$0x3FAF]  }
0x30: {  	s3 =	sld [smem:$0x3FB2]  }
0x31: {  	[smem:$0x3FBB] =	sst s10  }
0x32: {  	s10 =	sld [smem:$0x3FB9];
	_ =	sdelay $0x3  }
0x33: {  	p0 =	seq.s32 s10, $0x1;
	s10 =	sld [smem:$0x3FBB];
	_ =	sdelay $0x3  }
0x34: {  	[smem:$0x3FBB] =	sst s10  }
0x35: {  	s10 =	sld [smem:$0x3FBA];
	_ =	sdelay $0x3  }
0x36: {  	p1 =	seq.s32 s10, $0x1;
	s10 =	sld [smem:$0x3FBB];
	_ =	sdelay $0x3  }
0x37: {  	[smem:$0x3FBB] =	sst s10  }
0x38: {  	s10 =	sld [smem:$0x3FBC]  }
0x39: {  	_ = 	snop;
	(pc) =	sbr.ind lr, $3  }
0x3a: {  	_ = 	snop  }
0x3b: {  	_ = 	snop  }
0x3c: {  	p2 =	seq.s32 s10, $0x1;
	s10 =	sld [smem:$0x3FBB]  }
0x3d: {  	_ =	shalt  }
0x3e: {  	_ =	shalt  }
0x3f: {  	_ =	shalt  }
0x40: {  	_ =	shalt  }
0x41: {  	_ =	shalt  }
0x42: {  	_ =	shalt  }
0x43: {  	_ =	shalt  }
0x44: {  	_ =	shalt  }
0x45: {  	_ =	shalt  }
0x46: {  	_ =	shalt  }
0x47: {  	_ =	shalt  }
0x48: {  	_ =	shalt  }
0x49: {  	_ =	shalt  }
0x4a: {  	_ =	shalt  }
0x4b: {  	_ =	shalt  }
0x4c: {  	_ =	shalt  }
0x4d: {  	_ =	shalt  }
0x4e: {  	_ =	shalt  }
0x4f: {  	_ =	shalt  }
0x50: {  	_ =	shalt  }
0x51: {  	_ =	shalt  }
0x52: {  	_ =	shalt  }
0x53: {  	_ =	shalt  }
0x54: {  	_ =	shalt  }
0x55: {  	_ =	shalt  }
0x56: {  	_ =	shalt  }
0x57: {  	_ =	shalt  }
0x58: {  	_ =	shalt  }
0x59: {  	_ =	shalt  }
0x5a: {  	_ =	shalt  }
0x5b: {  	_ =	shalt  }
0x5c: {  	_ =	shalt  }
0x5d: {  	_ =	shalt  }
0x5e: {  	_ =	shalt  }
0x5f: {  	_ =	shalt  }
0x60: {  	_ =	shalt  }
0x61: {  	_ =	shalt  }
0x62: {  	_ =	shalt  }
0x63: {  	_ =	shalt  }
0x64: {  	_ =	shalt  }
0x65: {  	_ =	shalt  }
0x66: {  	_ =	shalt  }
0x67: {  	_ =	shalt  }
0x68: {  	_ =	shalt  }
0x69: {  	_ =	shalt  }
0x6a: {  	_ =	shalt  }
0x6b: {  	_ =	shalt  }
0x6c: {  	_ =	shalt  }
0x6d: {  	_ =	shalt  }
0x6e: {  	_ =	shalt  }
0x6f: {  	_ =	shalt  }
0x70: {  	_ =	shalt  }
0x71: {  	_ =	shalt  }
0x72: {  	_ =	shalt  }
0x73: {  	_ =	shalt  }
0x74: {  	_ =	shalt  }
0x75: {  	_ =	shalt  }
0x76: {  	_ =	shalt  }
0x77: {  	_ =	shalt  }
0x78: {  	_ =	shalt  }
0x79: {  	_ =	shalt  }
0x7a: {  	_ =	shalt  }
0x7b: {  	_ =	shalt  }
0x7c: {  	_ =	shalt  }
0x7d: {  	_ =	shalt  }
0x7e: {  	_ =	shalt  }
0x7f: {  	_ =	shalt  }
0x80: {  	_ =	shalt  }
0x81: {  	_ =	shalt  }
0x82: {  	_ =	shalt  }
0x83: {  	_ =	shalt  }
0x84: {  	_ =	shalt  }
0x85: {  	_ =	shalt  }
0x86: {  	_ =	shalt  }
0x87: {  	_ =	shalt  }
.Lfunc_end0:
.L_simem_size_0:
called_computation_lowered:
.L_overlay_start_0:
0x88: {  	s2 =	sld [smem:$0x3FD9]  }
0x89: {  	s3 =	sld [smem:$0x3FFE];
	_ =	sdelay $0x1  }
0x8a: {  	s1 =	srdreg.scid  }
0x8b: {  	s0 =	sand.u32 $0x1, s1  }
0x8c: {  	s17 =	sshll.u32 s0, $0xA;
	s2 =	sadd.s32 s3, s2  }
0x8d: {  	s2 =	sadd.s32 s2, s17  }
0x8e: {  	[smem:$0x3FC7] =	sst s2  }
0x8f: {  	_ = 	snop  }
0x90: {  	s2 =	sld [smem:$0x3FD0];
	(tm) =	ssettm $0x1  }
0x91: {  	s18 =	sld [smem:$0x3FFB];
	_ =	sdelay $0x3  }
0x92: {  	_ =	strace s18  }
0x93: {  	s3 =	sld [smem:$0x3FFC];
	_ =	sdelay $0x3  }
0x94: {  	_ =	strace s3  }
0x95: {  	s3 =	sld [smem:$0x3FFD];
	_ =	sdelay $0x3  }
0x96: {  	_ =	strace s3  }
0x97: {  	_ =	strace $0x8FFFFFFF  }
0x98: {  	s19 =	sld [smem:$0x3FDB];
	_ =	sdelay $0x1  }
0x99: {  	s4 =	simm.s32 $_scs_section_size  }
0x9a: {  	s5 =	simm.s32 $_size__tile_overlayer_lowered;
	s6 =	simm.s32 $_tile_overlayer_lowered  }
0x9b: {  	s22 =	simm.s32 $0x1BFF;
	s21 =	sshll.u32 s6, $0x1;
	s3 =	sadd.s32 s4, s19  }
0x9c: {  	s7 =	simm.s32 $0x0;
	s20 =	sshll.u32 s5, $0x1;
	s5 =	sadd.s32 s21, s3  }
0x9d: {  	[timem:s7], [sflag:s22] =	dma.local [hbm:s5], s20  }
0x9e: {  	_ =	swait.ge [sflag:s22], s20  }
0x9f: {  	s4 =	ssub.s32 $0x0, s20;
	[sflag:s22] =	ssyncset.done $0x0  }
0xa0: {  	[sflag:s22] =	ssyncadd.s32 s4;
	_ =	sdelay $0x1  }
0xa1: {  	s23 =	simm.s32 $0x1B8B  }
0xa2: {  	_ =	swait.ge [sflag:s23], $0x1  }
0xa3: {  	[sflag:s23] =	ssyncset.done $0x0  }
0xa4: {  	s25 =	simm.s32 $0x1B8E;
	s24 =	sld [smem:$0x3FFE];
	[sflag:s23] =	ssyncadd.s32 $0xFFFFFFFF  }
0xa5: {  	s26 =	simm.s32 $execute0_lowered;
	[smem:$0x3FD2] =	sst s25  }
0xa6: {  	s5 =	sshll.u32 s26, $0x1;
	_ =	strace $0x80000046;
	[dreg:$0x1] =	wrdreg $0xFFFFFFFF  }
0xa7: {  	s28 =	simm.s32 $_size_execute0_lowered;
	s3 =	sadd.s32 s3, s5;
	[dreg:$0x0] =	wrdreg $0x0  }
0xa8: {  	s5 =	sshll.u32 s28, $0x1;
	[dreg:$0x2] =	wrdreg s3  }
0xa9: {  	[dreg:$0x3] =	wrdreg s5  }
0xaa: {  	[dreg:$0x4] =	wrdreg $0xC0  }
0xab: {  	_ =	task [dreg:s7], $0x5FFFF  }
0xac: {  	[dreg:$0x1] =	wrdreg $0xFFFFFFFF  }
0xad: {  	[dreg:$0x0] =	wrdreg $0x60  }
0xae: {  	[dreg:$0x2] =	wrdreg s24  }
0xaf: {  	[dreg:$0x3] =	wrdreg s2  }
0xb0: {  	[dreg:$0x4] =	wrdreg $0x9  }
0xb1: {  	_ =	task.clear_ibuf [dreg:s7], $0x5FFFF;
	_ =	strace $0x90000046  }
0xb2: {  	s29 =	simm.s32 $0x9;
	_ =	strace $0x80000048  }
0xb3: {  	_ =	swait.ge [sflag:s29], $0x1  }
0xb4: {  	[sflag:s29] =	ssyncadd.s32 $0xFFFFFFFF  }
0xb5: {  	_ =	strace $0x90000048  }
0xb6: {  	_ =	sfence  }
0xb7: {  	s30 =	sld [smem:$0x0];
	_ =	sdelay $0x2  }
0xb8: {  	s31 =	sshll.u32 s1, $0xD;
	s1 =	sshrl.u32 s1, $0x2  }
0xb9: {  	s3 =	sand.u32 $0x4000, s31;
	s1 =	sadd.s32 s1, s30  }
0xba: {  	s0 =	sor.u32 s3, s0;
	s1 =	sshll.u32 s1, $0x11  }
0xbb: {  	s0 =	sor.u32 s1, s0  }
0xbc: {  	s0 =	sadd.s32 $0x8F2B, s0  }
0xbd: {  	[sflag:s0] =	ssyncadd.remote.s32 $0x1  }
0xbe: {  	_ =	sfence.sel $0xFFFF  }
0xbf: {  	[dreg:$0x0] =	wrdreg $0xFFFFFFFF;
	(pc) =	sbr.abs _section_cstart, $3  }
0xc0: {  	[dreg:$0x1] =	wrdreg $0xFFFFFFFF  }
0xc1: {  	_ =	task.clear_ibuf [dreg:s7], $0x2FFFF;
	_ =	strace $0x9FFFFFFF  }
0xc2: {  	(tm) =	ssettm $0x7FFFFFFF  }
0xc3: {  	_ =	shalt  }
tec
execute0_lowered:
.L_overlay_start_1:
0x0: {  	(tag) =	ssettag $0x1  }
0x1: {  	s1 =	srdreg.scid  }
0x2: {  	s0 =	stileid.u32;
	v0 =	vimm.s32 $0xFEDCBA98;
	s3 =	rddreg [dreg:$0x0]  }
0x3: {  	s10 =	rddreg [dreg:$0x1];
	v1 =	vimm.s32 $0x76543210;
	v2 =	vimm.s32 $0x3210FEDC;
	s14 =	simm.s32 $0x8100;
	s15 =	simm.s32 $0xD380  }
0x4: {  	v3 =	vimm.s32 $0xBA987654;
	v4 =	vimm.s32 $0x10FEDCBA;
	s16 =	simm.s32 $0xD480;
	s8 =	sand.u32 $0x1, s1;
	s9 =	sshrl.u32 s0, $0x2  }
0x5: {  	v5 =	vimm.s32 $0x98765432;
	v6 =	vimm.s32 $0xFEDCBA9;
	v7 =	vimm.s32 $0x87654321;
	s1 =	simm.s32 $0x0;
	s17 =	sand.u32 $0x3, s0;
	s2 =	sshll.u32 s8, $0x2  }
0x6: {  	v0 =	vunpack.c.l.s4.s8 v0;
	v1 =	vunpack.c.l.s4.s8 v1;
	v2 =	vunpack.c.l.s4.s8 v2;
	s31 =	sshll.u32 s0, $0x8;
	[smem:$0x7FF] =	sst s1;
	s11 =	sor.u32 s9, s2  }
0x7: {  	v3 =	vunpack.c.l.s4.s8 v3;
	v4 =	vunpack.c.l.s4.s8 v4;
	v5 =	vunpack.c.l.s4.s8 v5;
	s5 =	ssub.s32 $0x2, s8;
	s13 =	sshll.u32 s8, $0xC;
	s4 =	smul.u32 $0xC000, s11  }
0x8: {  	v6 =	vunpack.c.l.s4.s8 v6;
	v7 =	vunpack.c.l.s4.s8 v7;
	p0 =	sne.s32 s17, $0x0;
	v0 =	vunpack.c.0.s8.s32 v0;
	s2 =	rddreg [dreg:$0x2];
	_ =	strace $0x80000047  }
0x9: {  	s30 =	sshrl.u32 s5, $0x1;
	v2 =	vunpack.c.0.s8.s32 v2;
	v3 =	vunpack.c.0.s8.s32 v3;
	v4 =	vunpack.c.0.s8.s32 v4;
	s9 =	sshll.u32 s9, $0xA;
	s4 =	sshrl.u32 s4, $0x3  }
0xa: {  	v5 =	vunpack.c.0.s8.s32 v5;
	v6 =	vunpack.c.0.s8.s32 v6;
	s8 =	sor.u32 s31, s13;
	v8 =	vunpack.c.0.s8.s32 v1;
	s7 =	sadd.s32 s4, s3;
	s4 =	sshll.u32 s17, $0xC  }
0xb: {  	v7 =	vunpack.c.0.s8.s32 v7;
	s12 =	ssub.s32 s5, s30;
	s9 =	sor.u32 s13, s9;
	v3 =	vcombine.low v3, v2;
	v2 =	vand.u32 $0xF, v0;
	s20 =	sor.u32 $0x8130, s4  }
0xc: {  	s11 =	sshll.u32 s11, $0x4;
	s13 =	simm.s32 $0x4080;
	v2 =	vcombine.low v2, v8;
	s19 =	sor.u32 $0x40B0, s4;
	v8 =	vmov s20  }
0xd: {  	s10 =	sadd.s32 s10, s11;
	s11 =	smax.u32 s12, $0x1;
	v4 =	vcombine.low v5, v4;
	v5 =	vcombine.low v7, v6;
	s12 =	simm.s32 $0x1;
	v7 =	vmov s19  }
0xe: {  	v1 =	vlaneseq.u32;
	v0 =	vimm.f32 $+Inf;
	s3 =	sadd.s32 $0xC800, s3;
	v3 =	vand.u32 $0xF, v3;
	s17 =	simm.s32 $0x0;
	s18 =	sor.u32 $0x30, s4  }
0xf: {  	v4 =	vand.u32 $0xF, v4;
	v5 =	vand.u32 $0xF, v5;
	s5 =	sadd.s32 $0x800, s7;
	s6 =	sadd.s32 $0x1000, s7;
	s7 =	sadd.s32 $0x1800, s7;
	v6 =	vmov s18  }
.LBB2_1:
0x10: {  	[tilespmem:s1], [sflag:$0x1] =	stream.linear.gather [hbm4b:s5+s1], $0x4000, $0x38;
	[tilespmem:$0xD880] =	vst v63  }
0x11: {  	_ =	swait.ge [sflag:s12], $0x4000  }
0x12: {  	[sflag:s12] =	ssyncset.done $0x0  }
0x13: {  	[sflag:s12] =	ssyncadd.s32 $0xFFFFC000  }
0x14: {  	[tilespmem:s13], [sflag:$0x1] =	stream.linear.gather [hbm4b:s6+s1], $0x4000, $0x38;
	[tilespmem:$0xD880] =	vst v63  }
0x15: {  	_ =	swait.ge [sflag:s12], $0x4000  }
0x16: {  	[sflag:s12] =	ssyncset.done $0x0  }
0x17: {  	[sflag:s12] =	ssyncadd.s32 $0xFFFFC000  }
0x18: {  	[tilespmem:s14], [sflag:$0x1] =	stream.linear.gather [hbm4b:s7+s1], $0x4000, $0x38;
	[tilespmem:$0xD880] =	vst v63  }
0x19: {  	_ =	swait.ge [sflag:s12], $0x4000  }
0x1a: {  	[sflag:s12] =	ssyncset.done $0x0  }
0x1b: {  	s18 =	simm.s32 $0x40;
	s19 =	simm.s32 $0x0;
	[sflag:s12] =	ssyncadd.s32 $0xFFFFC000  }
.LBB2_2:
0x1c: {  	p1 =	sne.s32 s18, $0x3FC0;
	[tilespmem:s19+$0xC180] =	vst v0;
	s19 =	smov.u32 s18;
	s18 =	sadd.s32 $0x40, s18  }
.Ltmp0:
0x1d: {  	(pc) =	sbr.rel @p1 .LBB2_2-.Ltmp0, $2  }
0x1e: {  	_ =	sdelay $0x2  }
0x1f: {  	s19 =	sshra.s32 s19, $0x2  }
0x20: {  	[tilespmem:s19+$0xC180] =	vst v0  }
0x21: {  	v18 =	vld.msk [tilespmem:$0x0 ss:$0x0], $0xffff  }
0x22: {  	v20 =	vld.msk [tilespmem:$0x4080 ss:$0x0], $0xffff  }
0x23: {  	s18 =	simm.s32 $0x1;
	v9 =	vimm.s32 $0x0;
	v19 =	vld.msk [tilespmem:$0x8100 ss:$0x0], $0xffff  }
.LBB2_4:
0x24: {  	_ =	sdelay $0x1  }
0x25: {  	v14 =	vimm.f32 $-Inf;
	v11 =	vimm.f32 $-Inf;
	s24 =	simm.s32 $0x100  }
0x26: {  	s19 =	simm.s32 $0x0;
	v10 =	vimm.f32 $-Inf;
	v15 =	vimm.f32 $-Inf;
	v13 =	vimm.s32 $0x0;
	s23 =	sadd.s32 $0x10, s4;
	s21 =	sadd.s32 $0x20, s4  }
0x27: {  	s20 =	sadd.s32 $0x30, s4;
	s25 =	smov.u32 s4;
	s22 =	smov.u32 s4;
	v17 =	vimm.s32 $0x0;
	v16 =	vimm.s32 $0x0;
	v12 =	vimm.s32 $0x0;
	v21 =	vld.idx.msk [tilespmem:v8+s19+$0x0 ss:$0x1], $0xffff  }
.LBB2_5:
0x28: {  	p1 =	sne.s32 s24, $0x3F00  }
0x29: {  	v22 =	vld.idx.msk [tilespmem:v8+s19+$0xFFFFFFE0 ss:$0x1], $0xffff;
	s25 =	sadd.s32 $0x40, s25;
	s28 =	smov.u32 s24;
	s24 =	sadd.s32 $0x100, s24  }
0x2a: {  	s29 =	sadd.s32 $0x10, s25;
	s26 =	sadd.s32 $0x20, s25;
	s30 =	sadd.s32 $0x30, s25;
	v23 =	vld.idx.msk [tilespmem:v7+s19+$0xFFFFFFE0 ss:$0x1], $0xffff  }
0x2b: {  	v24 =	vld.idx.msk [tilespmem:v7+s19+$0x0 ss:$0x1], $0xffff  }
0x2c: {  	v25 =	vld.idx.msk [tilespmem:v6+s19+$0xFFFFFFE0 ss:$0x1], $0xffff  }
0x2d: {  	v26 =	vld.idx.msk [tilespmem:v7+s19+$0xFFFFFFF0 ss:$0x1], $0xffff  }
0x2e: {  	v27 =	vld.idx.msk [tilespmem:v6+s19+$0xFFFFFFF0 ss:$0x1], $0xffff  }
0x2f: {  	v28 =	vld.idx.msk [tilespmem:v7+s19+$0xFFFFFFD0 ss:$0x1], $0xffff  }
0x30: {  	v22 =	vsub.f32 v22, v19;
	v23 =	vsub.f32 v23, v20;
	v29 =	vld.idx.msk [tilespmem:v6+s19+$0x0 ss:$0x1], $0xffff  }
0x31: {  	v21 =	vsub.f32 v21, v19;
	v24 =	vsub.f32 v24, v20;
	v30 =	vld.idx.msk [tilespmem:v6+s19+$0xFFFFFFD0 ss:$0x1], $0xffff  }
0x32: {  	s28 =	sshra.s32 s28, $0x2;
	v22 =	vmul.f32 v22, v22;
	v31 =	vld.idx.msk [tilespmem:v8+s19+$0xFFFFFFF0 ss:$0x1], $0xffff  }
0x33: {  	v21 =	vmul.f32 v21, v21;
	v26 =	vsub.f32 v26, v20;
	v32 =	vld.idx.msk [tilespmem:v8+s19+$0xFFFFFFD0 ss:$0x1], $0xffff  }
0x34: {  	v25 =	vsub.f32 v25, v18;
	v24 =	vmul.f32 v24, v24;
	v27 =	vsub.f32 v27, v18  }
0x35: {  	v33 =	vor.u32 s20, v1;
	s20 =	smov.u32 s30;
	v28 =	vsub.f32 v28, v20;
	v26 =	vmul.f32 v26, v26  }
0x36: {  	v23 =	vmul.f32 v23, v23;
	v25 =	vmul.f32 v25, v25;
	v29 =	vsub.f32 v29, v18  }
0x37: {  	v35 =	vor.u32 s23, v1;
	s23 =	smov.u32 s29;
	v30 =	vsub.f32 v30, v18;
	v28 =	vmul.f32 v28, v28;
	v34 =	vld [tilespmem:s19+$0xC1B0]  }
0x38: {  	v27 =	vmul.f32 v27, v27;
	v31 =	vsub.f32 v31, v19;
	v29 =	vmul.f32 v29, v29;
	v36 =	vld [tilespmem:s19+$0xC190]  }
0x39: {  	v23 =	vadd.f32 v23, v25;
	v32 =	vsub.f32 v32, v19;
	v30 =	vmul.f32 v30, v30;
	v25 =	vld [tilespmem:s19+$0xC1A0]  }
0x3a: {  	v26 =	vadd.f32 v26, v27;
	v27 =	vmul.f32 v31, v31;
	v24 =	vadd.f32 v24, v29;
	v37 =	vld [tilespmem:s19+$0xC180]  }
0x3b: {  	v22 =	vadd.f32 v22, v23;
	v28 =	vadd.f32 v28, v30;
	v29 =	vmul.f32 v32, v32  }
0x3c: {  	v23 =	vadd.f32 v27, v26;
	v21 =	vadd.f32 v21, v24;
	v24 =	vor.u32 s22, v1;
	s22 =	smov.u32 s25  }
0x3d: {  	v27 =	vor.u32 s21, v1;
	s21 =	smov.u32 s26;
	v26 =	vadd.f32 v29, v28;
	v22 =	vmin.f32 v36, v22  }
.Ltmp1:
0x3e: {  	v21 =	vmin.f32 v34, v21;
	v23 =	vmin.f32 v25, v23;
	[tilespmem:s19+$0xC190] =	vst v22;
	vm0 =	vgt.f32 v22, v14;
	(pc) =	sbr.rel @p1 .LBB2_5-.Ltmp1, $4  }
0x3f: {  	vm2 =	vgt.f32 v21, v10;
	v25 =	vmin.f32 v37, v26;
	[tilespmem:s19+$0xC1A0] =	vst v23;
	vm1 =	vgt.f32 v23, v11  }
0x40: {  	[tilespmem:s19+$0xC180] =	vst v25;
	vm3 =	vgt.f32 v25, v15;
	v11 =	vsel vm1, v23, v11;
	v13 =	vsel vm1, v27, v13  }
0x41: {  	v10 =	vsel vm2, v21, v10;
	[tilespmem:s19+$0xC1B0] =	vst v21;
	v15 =	vsel vm3, v25, v15;
	v17 =	vsel vm3, v24, v17;
	s19 =	smov.u32 s28  }
0x42: {  	v14 =	vsel vm0, v22, v14;
	v16 =	vsel vm0, v35, v16;
	v12 =	vsel vm2, v33, v12;
	v21 =	vld.idx.msk [tilespmem:v8+s19+$0x0 ss:$0x1], $0xffff  }
0x43: {  	_ =	sdelay $0x3  }
0x44: {  	v22 =	vld.idx.msk [tilespmem:v8+s19+$0xFFFFFFE0 ss:$0x1], $0xffff  }
0x45: {  	v23 =	vld.idx.msk [tilespmem:v7+s19+$0xFFFFFFE0 ss:$0x1], $0xffff  }
0x46: {  	v24 =	vld.idx.msk [tilespmem:v7+s19+$0x0 ss:$0x1], $0xffff  }
0x47: {  	v25 =	vld.idx.msk [tilespmem:v6+s19+$0xFFFFFFE0 ss:$0x1], $0xffff  }
0x48: {  	v26 =	vld.idx.msk [tilespmem:v7+s19+$0xFFFFFFF0 ss:$0x1], $0xffff  }
0x49: {  	v27 =	vld.idx.msk [tilespmem:v6+s19+$0xFFFFFFF0 ss:$0x1], $0xffff  }
0x4a: {  	v28 =	vld.idx.msk [tilespmem:v7+s19+$0xFFFFFFD0 ss:$0x1], $0xffff  }
0x4b: {  	v29 =	vld.idx.msk [tilespmem:v6+s19+$0xFFFFFFD0 ss:$0x1], $0xffff  }
0x4c: {  	v31 =	vld.idx.msk [tilespmem:v8+s19+$0xFFFFFFD0 ss:$0x1], $0xffff;
	v21 =	vsub.f32 v21, v19  }
0x4d: {  	v30 =	vld.idx.msk [tilespmem:v6+s19+$0x0 ss:$0x1], $0xffff;
	v23 =	vsub.f32 v23, v20;
	v22 =	vsub.f32 v22, v19  }
0x4e: {  	v32 =	vld.idx.msk [tilespmem:v8+s19+$0xFFFFFFF0 ss:$0x1], $0xffff;
	v24 =	vsub.f32 v24, v20;
	v26 =	vsub.f32 v26, v20  }
0x4f: {  	v25 =	vsub.f32 v25, v18;
	v20 =	vsub.f32 v28, v20  }
0x50: {  	v49 =	vsub.f32 v29, v18;
	v27 =	vsub.f32 v27, v18  }
0x51: {  	v50 =	vsub.f32 v31, v19;
	v22 =	vmul.f32 v22, v22;
	v26 =	vmul.f32 v26, v26  }
0x52: {  	v18 =	vsub.f32 v30, v18;
	v20 =	vmul.f32 v20, v20;
	v28 =	vmul.f32 v49, v49  }
0x53: {  	v51 =	vld [tilespmem:s19+$0xC180];
	v19 =	vsub.f32 v32, v19;
	v25 =	vmul.f32 v25, v25;
	v23 =	vmul.f32 v23, v23  }
0x54: {  	v52 =	vld [tilespmem:s19+$0xC190];
	v27 =	vmul.f32 v27, v27;
	v53 =	vmul.f32 v50, v50;
	v20 =	vadd.f32 v20, v28  }
0x55: {  	v24 =	vmul.f32 v24, v24;
	v18 =	vmul.f32 v18, v18;
	v23 =	vadd.f32 v23, v25  }
0x56: {  	v19 =	vmul.f32 v19, v19;
	v54 =	vadd.f32 v26, v27;
	v20 =	vadd.f32 v53, v20  }
0x57: {  	v55 =	vld [tilespmem:s19+$0xC1A0];
	v21 =	vmul.f32 v21, v21;
	v18 =	vadd.f32 v24, v18;
	v22 =	vadd.f32 v22, v23  }
0x58: {  	v23 =	vor.u32 s23, v1;
	v19 =	vadd.f32 v19, v54;
	v20 =	vmin.f32 v51, v20  }
0x59: {  	v18 =	vadd.f32 v21, v18;
	v21 =	vmin.f32 v52, v22;
	vm0 =	vgt.f32 v20, v15  }
0x5a: {  	v22 =	vor.u32 s22, v1;
	vm1 =	vgt.f32 v21, v14;
	v15 =	vsel vm0, v20, v15  }
0x5b: {  	v56 =	vld [tilespmem:s19+$0xC1B0];
	v17 =	vsel vm0, v22, v17;
	v14 =	vsel vm1, v21, v14;
	v16 =	vsel vm1, v23, v16  }
0x5c: {  	v19 =	vmin.f32 v55, v19;
	vm10 =	veq.f32 v14, v15;
	vm1 =	vlt.s32 v16, v17  }
0x5d: {  	vm2 =	vgt.f32 v19, v11;
	vm3 =	vgt.f32 v14, v15;
	vm0 =	vmand vm10, vm1  }
0x5e: {  	v22 =	vor.u32 s21, v1;
	v11 =	vsel vm2, v19, v11;
	vm0 =	vmor vm3, vm0  }
0x5f: {  	v13 =	vsel vm2, v22, v13;
	v14 =	vsel vm0, v14, v15;
	v57 =	vsel vm0, v16, v17  }
0x60: {  	v16 =	vmin.f32 v56, v18;
	vm11 =	veq.f32 v11, v14;
	vm12 =	vlt.s32 v13, v57  }
0x61: {  	vm13 =	vgt.f32 v16, v10;
	vm14 =	vgt.f32 v11, v14;
	vm0 =	vmand vm11, vm12  }
0x62: {  	v17 =	vor.u32 s20, v1;
	v10 =	vsel vm13, v16, v10;
	vm0 =	vmor vm14, vm0  }
0x63: {  	v12 =	vsel vm13, v17, v12;
	v11 =	vsel vm0, v11, v14;
	v13 =	vsel vm0, v13, v57  }
0x64: {  	vm15 =	veq.f32 v10, v11;
	vm4 =	vlt.s32 v12, v13  }
0x65: {  	vm5 =	vgt.f32 v10, v11;
	vm0 =	vmand vm15, vm4  }
0x66: {  	vm0 =	vmor vm5, vm0  }
0x67: {  	v10 =	vsel vm0, v10, v11;
	v11 =	vsel vm0, v12, v13  }
0x68: {  	v58 =	vperm.xlane v10, v2;
	v13 =	vperm.xlane v11, v2;
	_ =	sdelay $0x1  }
0x69: {  	vm6 =	veq.f32 v58, v10;
	vm7 =	vlt.s32 v13, v11  }
0x6a: {  	vm8 =	vgt.f32 v58, v10;
	vm0 =	vmand vm6, vm7  }
0x6b: {  	vm0 =	vmor vm8, vm0  }
0x6c: {  	v10 =	vsel vm0, v58, v10;
	v11 =	vsel vm0, v13, v11  }
0x6d: {  	v12 =	vperm.xlane v10, v3;
	v13 =	vperm.xlane v11, v3;
	_ =	sdelay $0x1  }
0x6e: {  	vm9 =	veq.f32 v12, v10;
	vm10 =	vlt.s32 v13, v11  }
0x6f: {  	vm11 =	vgt.f32 v12, v10;
	vm0 =	vmand vm9, vm10  }
0x70: {  	vm0 =	vmor vm11, vm0  }
0x71: {  	v10 =	vsel vm0, v12, v10;
	v11 =	vsel vm0, v13, v11  }
0x72: {  	v12 =	vperm.xlane v10, v4;
	v13 =	vperm.xlane v11, v4;
	_ =	sdelay $0x1  }
0x73: {  	vm12 =	veq.f32 v12, v10;
	vm13 =	vlt.s32 v13, v11  }
0x74: {  	vm14 =	vgt.f32 v12, v10;
	vm0 =	vmand vm12, vm13  }
0x75: {  	vm0 =	vmor vm14, vm0  }
0x76: {  	v10 =	vsel vm0, v12, v10;
	v11 =	vsel vm0, v13, v11  }
0x77: {  	v12 =	vperm.xlane v10, v5;
	v13 =	vperm.xlane v11, v5;
	_ =	sdelay $0x1  }
0x78: {  	vm15 =	veq.f32 v12, v10;
	vm4 =	vlt.s32 v13, v11  }
0x79: {  	[tilespmem:s19+$0xC190] =	vst v21;
	vm5 =	vgt.f32 v12, v10;
	vm0 =	vmand vm15, vm4  }
0x7a: {  	s26 =	sshll.u32 s18, $0xD;
	[tilespmem:s19+$0xC1A0] =	vst v19;
	vm0 =	vmor vm5, vm0  }
0x7b: {  	[tilespmem:s19+$0xC180] =	vst v20;
	s20 =	sand.u32 $0x2000, s26;
	v11 =	vsel vm0, v13, v11  }
0x7c: {  	[tilespmem:s19+$0xC1B0] =	vst v16;
	s28 =	sor.u32 s8, s20;
	v10 =	vsel vm0, v12, v10;
	v11 =	vcvt.s32.f32 v11  }
0x7d: {  	s19 =	sshrl.u32 s28, $0x3;
	[tilespmem:$0xD380] =	vst v10  }
0x7e: {  	s19 =	sadd.s32 s3, s19;
	[tilespmem:$0xD400] =	vst v11  }
0x7f: {  	[hbm4b:s19+s1] =	stream.linear.scatter [tilespmem:s15], [sflag:$0x1], $0x100, $0x38;
	[tilespmem:$0xD880] =	vst v63  }
0x80: {  	_ =	swait.ge [sflag:s12], $0x100  }
0x81: {  	s29 =	sor.u32 s9, s20;
	[sflag:s12] =	ssyncset.done $0x0  }
0x82: {  	s19 =	sshrl.u32 s29, $0x3;
	[sflag:s12] =	ssyncadd.s32 $0xFFFFFF00  }
0x83: {  	s19 =	sadd.s32 s3, s19;
	[bflag:$0x0] =	sbarrier.arrive $0xFFFF  }
0x84: {  	[tilespmem:s16], [sflag:$0x1] =	stream.linear.gather [hbm4b:s19+s1], $0x400, $0x38;
	[tilespmem:$0xD880] =	vst v63  }
0x85: {  	_ =	swait.ge [sflag:s12], $0x400  }
0x86: {  	[sflag:s12] =	ssyncset.done $0x0  }
0x87: {  	[sflag:s12] =	ssyncadd.s32 $0xFFFFFC00  }
0x88: {  	v10 =	vld [tilespmem:$0xD480]  }
0x89: {  	v11 =	vld [tilespmem:$0xD500]  }
0x8a: {  	v59 =	vld [tilespmem:$0xD580]  }
0x8b: {  	v60 =	vld [tilespmem:$0xD600];
	_ =	sdelay $0x2  }
0x8c: {  	v61 =	vld [tilespmem:$0xD680]  }
0x8d: {  	v62 =	vld [tilespmem:$0xD700]  }
0x8e: {  	vm6 =	veq.f32 v59, v10;
	vm7 =	vlt.f32 v60, v11  }
0x8f: {  	vm8 =	vgt.f32 v59, v10;
	vm0 =	vmand vm6, vm7  }
0x90: {  	v16 =	vld [tilespmem:$0xD780];
	vm0 =	vmor vm8, vm0  }
0x91: {  	v63 =	vld [tilespmem:$0xD800];
	v10 =	vsel vm0, v59, v10;
	v11 =	vsel vm0, v60, v11  }
0x92: {  	vm9 =	veq.f32 v61, v10;
	vm10 =	vlt.f32 v62, v11  }
0x93: {  	vm11 =	vgt.f32 v61, v10;
	vm0 =	vmand vm9, vm10  }
0x94: {  	vm0 =	vmor vm11, vm0  }
0x95: {  	v10 =	vsel vm0, v61, v10;
	v11 =	vsel vm0, v62, v11  }
0x96: {  	vm12 =	veq.f32 v16, v10;
	vm13 =	vlt.f32 v63, v11  }
0x97: {  	vm14 =	vgt.f32 v16, v10;
	vm0 =	vmand vm12, vm13  }
0x98: {  	vm0 =	vmor vm14, vm0  }
0x99: {  	v10 =	vsel vm0, v63, v11  }
0x9a: {  	v10 =	vtrunc.f32 v10  }
0x9b: {  	v10 =	vcvt.f32.s32 v10;
	_ =	sdelay $0x1  }
0x9c: {  	(v2sf) =	vpush v10, $0x0;
	_ =	sdelay $0x7  }
0x9d: {  	s30 =	sand.u32 $0xF, s18  }
0x9e: {  	v11 =	vmov s30  }
0x9f: {  	vm15 =	veq.s32 v11, v1  }
0xa0: {  	p1 =	sne.s32 s30, $0xF;
	v9 =	vsel vm15, v10, v9  }
0xa1: {  	[tilespmem:s18+$0xD171] =	vst @!p1 v9;
	s18 =	sadd.s32 $0x1, s18  }
0xa2: {  	p1 =	sne.s32 s18, $0x200  }
.Ltmp2:
0xa3: {  	_ = 	snop;
	(pc) =	sbr.rel @p1 .LBB2_4-.Ltmp2, $4  }
0xa4: {  	s31 =	spop (v2sf)  }
0xa5: {  	v18 =	vld.msk [tilespmem:s31+$0x0 ss:$0x0], $0xffff  }
0xa6: {  	v20 =	vld.msk [tilespmem:s31+$0x4080 ss:$0x0], $0xffff  }
0xa7: {  	v19 =	vld.msk [tilespmem:s31+$0x8100 ss:$0x0], $0xffff  }
0xa8: {  	s18 =	simm.s32 @!p0 $0x80  }
0xa9: {  	s19 =	simm.s32 @!p0 $0x400;
	s20 =	simm.s32 @!p0 $0xD180;
	s17 =	sadd.s32 $0x1, s17  }
0xaa: {  	[hbm4b:s10+s18] =	stream.strided.scatter @!p0 [tilespmem:s20], [sflag:$0x1], $0x200, s19, s18, $0x38;
	[tilespmem:$0xD880] =	vst v63  }
0xab: {  	p1 =	sne.s32 s17, s11  }
.Ltmp3:
0xac: {  	_ = 	snop;
	(pc) =	sbr.rel @p1 .LBB2_1-.Ltmp3, $4  }
0xad: {  	s18 =	simm.s32 @!p0 $0x1  }
0xae: {  	_ =	swait.ge @!p0 [sflag:s18], $0x200  }
0xaf: {  	[sflag:s18] =	ssyncset.done @!p0 $0x0  }
0xb0: {  	[sflag:s18] =	ssyncadd.s32 @!p0 $0xFFFFFE00  }
0xb1: {  	_ =	sfence.sel $0x180000  }
0xb2: {  	[bflag:$0x0] =	sbarrier.arrive $0xFFFF  }
0xb3: {  	p0 =	sne.s32 s0, $0x0;
	_ =	strace $0x90000047  }
0xb4: {  	s0 =	sadd.s32 @!p0 $0x100000, s2;
	[bflag:$0x2] =	sbarrier.arrive $0xFFFF  }
0xb5: {  	[sflag:s0] =	ssyncadd.tile.s32 @!p0 $0x1;
	_ =	shalt  }
.Lfunc_end2:
_tile_overlayer_lowered:
.L_overlay_start_2:
0xb6: {  	(tag) =	ssettag $0x2  }
0xb7: {  	s0 =	rddreg [dreg:$0x0];
	s2 =	stileid.u32  }
0xb8: {  	s1 =	rddreg [dreg:$0x1];
	p0 =	sne.s32 s2, $0x0  }
0xb9: {  	s3 =	rddreg [dreg:$0x2];
	[bflag:$0x3] =	sbarrier.arrive $0xFFFF;
	s2 =	simm.s32 @!p0 $0x1C01  }
0xba: {  	[timem:s3], [sflag:s2] =	dma.local @!p0 [hbm:s0], s1  }
0xbb: {  	s0 =	simm.s32 @!p0 $0x1  }
0xbc: {  	_ =	swait.ge @!p0 [sflag:s0], s1  }
0xbd: {  	s1 =	ssub.s32 @!p0 $0x0, s1;
	[sflag:s0] =	ssyncset.done @!p0 $0x0  }
0xbe: {  	[sflag:s0] =	ssyncadd.s32 @!p0 s1  }
0xbf: {  	[bflag:$0x3] =	sbarrier.arrive $0xFFFF  }
0xc0: {  	_ =	shalt  }

</sc_bundles>
